<compile_context>
chip_gen: v7x
topology: tpu7x:2x2x1
jax: 0.10.2.dev20260603
libtpu: 0.0.44.dev20260713+nightly
codegen_flags: <defaults>
</compile_context>

<pallas_src>
import functools

import jax
import jax.numpy as jnp
from jax import lax
from jax.experimental import pallas as pl
from jax.experimental.pallas import tpu as pltpu
from jax.experimental.pallas import tpu_sc as plsc

N = 320000
D = 128
NC = 2
NS = 16
NW = NC * NS

R_SC = 64000
R_TC = N - R_SC

ROWS_PER_W = R_SC // NW
C = 200
NBUF = 5
NCHUNK = ROWS_PER_W // C
NGROUP = NCHUNK // NBUF
LANES = 16
JL = D // LANES


def _sc_partial_sums(x_hbm, out_hbm, bufs, acc_v, sems):
    wid = lax.axis_index("s") * NC + lax.axis_index("c")
    base = wid * ROWS_PER_W

    for b in range(NBUF):
        pltpu.async_copy(x_hbm.at[pl.ds(base + b * C, C)], bufs[b], sems[b])

    def group_body(g, accs):
        for b in range(NBUF):
            chunk = g * NBUF + b
            pltpu.make_async_copy(
                x_hbm.at[pl.ds(base, C)], bufs[b], sems[b]
            ).wait()

            def row_body(r, a):
                return tuple(
                    a[j] + bufs[b][r, pl.ds(j * LANES, LANES)]
                    for j in range(JL)
                )

            accs = lax.fori_loop(0, C, row_body, accs, unroll=2)

            nxt = chunk + NBUF

            @pl.when(nxt < NCHUNK)
            def _():
                pltpu.async_copy(
                    x_hbm.at[pl.ds(base + nxt * C, C)], bufs[b], sems[b]
                )

        return accs

    zeros = tuple(jnp.zeros((LANES,), jnp.float32) for _ in range(JL))
    accs = lax.fori_loop(0, NGROUP, group_body, zeros)

    for j in range(JL):
        acc_v[0, pl.ds(j * LANES, LANES)] = accs[j]
    pltpu.sync_copy(acc_v, out_hbm.at[wid])


@functools.partial(
    pl.kernel,
    out_type=jax.ShapeDtypeStruct((NW, 1, D), jnp.float32),
    mesh=plsc.VectorSubcoreMesh(core_axis_name="c", subcore_axis_name="s"),
    scratch_types=(
        [pltpu.VMEM((C, D), jnp.float32) for _ in range(NBUF)]
        + [pltpu.VMEM((1, D), jnp.float32)]
        + [pltpu.SemaphoreType.DMA for _ in range(NBUF)]
    ),
)
def _sc_sum_kernel(x_hbm, out_hbm, *refs):
    bufs = refs[:NBUF]
    acc_v = refs[NBUF]
    sems = refs[NBUF + 1:]
    _sc_partial_sums(x_hbm, out_hbm, bufs, acc_v, sems)


BRT = 32000
TC_STEPS = R_TC // BRT
TC_OFF = R_SC // BRT


def _tc_tail_body(x_ref, o_ref, acc_ref):
    @pl.when(pl.program_id(0) == 0)
    def _():
        acc_ref[...] = jnp.zeros_like(acc_ref)

    xb = x_ref[...].reshape(BRT // 64, 64, D)
    acc_ref[...] += jnp.sum(xb, axis=0)

    @pl.when(pl.program_id(0) == TC_STEPS - 1)
    def _():
        o_ref[...] = jnp.sum(acc_ref[...], axis=0, keepdims=True)


_tc_tail_sum = pl.pallas_call(
    _tc_tail_body,
    grid=(TC_STEPS,),
    in_specs=[pl.BlockSpec((BRT, D), lambda i: (TC_OFF + i, 0))],
    out_specs=pl.BlockSpec((1, D), lambda i: (0, 0)),
    out_shape=jax.ShapeDtypeStruct((1, D), jnp.float32),
    scratch_shapes=[pltpu.VMEM((64, D), jnp.float32)],
)


def _combine_body(p_ref, t_ref, o_ref):
    o_ref[...] = jnp.sum(p_ref[...], axis=0) + t_ref[...]


_combine = pl.pallas_call(
    _combine_body,
    out_shape=jax.ShapeDtypeStruct((1, D), jnp.float32),
)


def kernel(x):
    p_sc = _sc_sum_kernel(x)
    p_tc = _tc_tail_sum(x)
    return _combine(p_sc, p_tc)

# --- scband reference (transcript-rebuilt; emitter-appended) ---
"""Pipeline reference for scband-equivariant-vec-to-scalar-2164663517815 (READ-ONLY COPY).

The authoritative reference and input builder live on the scoring server;
editing this copy changes nothing except your own understanding.
"""

import jax, jax.numpy as jnp
import numpy as np

MEAN = 0.0
REDUCE_OP = "sum"


def setup_inputs(seed: int = 0) -> dict:
    key = jax.random.key(seed)
    x = jax.random.normal(key, (320000, 128), dtype=jnp.float32)
    return {"x": x}


def reference(x):
    # batch = zeros -> every row belongs to segment 0 (single-graph batch)
    batch = jnp.zeros((x.shape[0],), dtype=jnp.int32)
    if REDUCE_OP == "sum":
        y = jax.ops.segment_sum(x, batch, num_segments=1)
    elif REDUCE_OP == "mean":
        s = jax.ops.segment_sum(x, batch, num_segments=1)
        cnt = jax.ops.segment_sum(jnp.ones((x.shape[0],), dtype=x.dtype), batch, num_segments=1)
        y = s / jnp.maximum(cnt, 1.0)[:, None]
    elif REDUCE_OP == "max":
        y = jax.ops.segment_max(x, batch, num_segments=1)
    else:
        raise ValueError(REDUCE_OP)
    return y + MEAN

if __name__ == "__main__":
    import jax
    _d = setup_inputs()
    print(jax.jit(kernel)(*tuple(_d.values())))

</pallas_src>

<mosaic_0001>
#map = affine_map<(d0, d1) -> (0, 0)>
#map1 = affine_map<(d0, d1) -> (0, 0, 0)>
module attributes {stable_mosaic.version = 14 : i64} {
  func.func @_sc_sum_kernel(%arg0: i32, %arg1: i32, %arg2: memref<320000x128xf32, #tpu.memory_space<hbm>>, %arg3: memref<32x1x128xf32, #tpu.memory_space<hbm>>, %arg4: memref<200x128xf32, #tpu.memory_space<vmem>>, %arg5: memref<200x128xf32, #tpu.memory_space<vmem>>, %arg6: memref<200x128xf32, #tpu.memory_space<vmem>>, %arg7: memref<200x128xf32, #tpu.memory_space<vmem>>, %arg8: memref<200x128xf32, #tpu.memory_space<vmem>>, %arg9: memref<1x128xf32, #tpu.memory_space<vmem>>, %arg10: memref<!tpu.dma_semaphore, #tpu.memory_space<semaphore_mem>>, %arg11: memref<!tpu.dma_semaphore, #tpu.memory_space<semaphore_mem>>, %arg12: memref<!tpu.dma_semaphore, #tpu.memory_space<semaphore_mem>>, %arg13: memref<!tpu.dma_semaphore, #tpu.memory_space<semaphore_mem>>, %arg14: memref<!tpu.dma_semaphore, #tpu.memory_space<semaphore_mem>>) attributes {dimension_semantics = [#tpu.dimension_semantics<core_parallel>, #tpu.dimension_semantics<subcore_parallel>], iteration_bounds = array<i64: 2, 16>, scalar_prefetch = 0 : i64, scratch_operands = 11 : i64, tpu.core_type = #tpu.core_type<sc_vector_subcore>, window_params = [{transform_indices = #map}, {transform_indices = #map1}]} {
    %mul3A = arith.constant 2 : i32
    %mul3A_0 = arith.muli %arg1, %mul3A : i32
    %add3A = arith.addi %mul3A_0, %arg0 : i32
    %mul3A_1 = arith.constant 2000 : i32
    %mul3A_2 = arith.muli %add3A, %mul3A_1 : i32
    %add3A_3 = arith.constant 0 : i32
    %add3A_4 = arith.addi %mul3A_2, %add3A_3 : i32
    %dma_start3A = arith.constant 0 : i32
    %dma_start3A_5 = tpu.memref_slice %arg2[%add3A_4, %dma_start3A] : memref<320000x128xf32, #tpu.memory_space<hbm>> -> memref<200x128xf32, #tpu.memory_space<hbm>>
    %dma_start3A_6 = arith.constant 0 : i32
    %dma_start3A_7 = tpu.memref_slice %arg2[%add3A_4, %dma_start3A_6] : memref<320000x128xf32, #tpu.memory_space<hbm>> -> memref<200x128xf32, #tpu.memory_space<hbm>>
    tpu.enqueue_dma source(%dma_start3A_7 : memref<200x128xf32, #tpu.memory_space<hbm>>) target(%arg4 : memref<200x128xf32, #tpu.memory_space<vmem>>) target_semaphore(%arg10 : memref<!tpu.dma_semaphore, #tpu.memory_space<semaphore_mem>>)
    %add3A_8 = arith.constant 200 : i32
    %add3A_9 = arith.addi %mul3A_2, %add3A_8 : i32
    %dma_start3A_10 = arith.constant 0 : i32
    %dma_start3A_11 = tpu.memref_slice %arg2[%add3A_9, %dma_start3A_10] : memref<320000x128xf32, #tpu.memory_space<hbm>> -> memref<200x128xf32, #tpu.memory_space<hbm>>
    %dma_start3A_12 = arith.constant 0 : i32
    %dma_start3A_13 = tpu.memref_slice %arg2[%add3A_9, %dma_start3A_12] : memref<320000x128xf32, #tpu.memory_space<hbm>> -> memref<200x128xf32, #tpu.memory_space<hbm>>
    tpu.enqueue_dma source(%dma_start3A_13 : memref<200x128xf32, #tpu.memory_space<hbm>>) target(%arg5 : memref<200x128xf32, #tpu.memory_space<vmem>>) target_semaphore(%arg11 : memref<!tpu.dma_semaphore, #tpu.memory_space<semaphore_mem>>)
    %add3A_14 = arith.constant 400 : i32
    %add3A_15 = arith.addi %mul3A_2, %add3A_14 : i32
    %dma_start3A_16 = arith.constant 0 : i32
    %dma_start3A_17 = tpu.memref_slice %arg2[%add3A_15, %dma_start3A_16] : memref<320000x128xf32, #tpu.memory_space<hbm>> -> memref<200x128xf32, #tpu.memory_space<hbm>>
    %dma_start3A_18 = arith.constant 0 : i32
    %dma_start3A_19 = tpu.memref_slice %arg2[%add3A_15, %dma_start3A_18] : memref<320000x128xf32, #tpu.memory_space<hbm>> -> memref<200x128xf32, #tpu.memory_space<hbm>>
    tpu.enqueue_dma source(%dma_start3A_19 : memref<200x128xf32, #tpu.memory_space<hbm>>) target(%arg6 : memref<200x128xf32, #tpu.memory_space<vmem>>) target_semaphore(%arg12 : memref<!tpu.dma_semaphore, #tpu.memory_space<semaphore_mem>>)
    %add3A_20 = arith.constant 600 : i32
    %add3A_21 = arith.addi %mul3A_2, %add3A_20 : i32
    %dma_start3A_22 = arith.constant 0 : i32
    %dma_start3A_23 = tpu.memref_slice %arg2[%add3A_21, %dma_start3A_22] : memref<320000x128xf32, #tpu.memory_space<hbm>> -> memref<200x128xf32, #tpu.memory_space<hbm>>
    %dma_start3A_24 = arith.constant 0 : i32
    %dma_start3A_25 = tpu.memref_slice %arg2[%add3A_21, %dma_start3A_24] : memref<320000x128xf32, #tpu.memory_space<hbm>> -> memref<200x128xf32, #tpu.memory_space<hbm>>
    tpu.enqueue_dma source(%dma_start3A_25 : memref<200x128xf32, #tpu.memory_space<hbm>>) target(%arg7 : memref<200x128xf32, #tpu.memory_space<vmem>>) target_semaphore(%arg13 : memref<!tpu.dma_semaphore, #tpu.memory_space<semaphore_mem>>)
    %add3A_26 = arith.constant 800 : i32
    %add3A_27 = arith.addi %mul3A_2, %add3A_26 : i32
    %dma_start3A_28 = arith.constant 0 : i32
    %dma_start3A_29 = tpu.memref_slice %arg2[%add3A_27, %dma_start3A_28] : memref<320000x128xf32, #tpu.memory_space<hbm>> -> memref<200x128xf32, #tpu.memory_space<hbm>>
    %dma_start3A_30 = arith.constant 0 : i32
    %dma_start3A_31 = tpu.memref_slice %arg2[%add3A_27, %dma_start3A_30] : memref<320000x128xf32, #tpu.memory_space<hbm>> -> memref<200x128xf32, #tpu.memory_space<hbm>>
    tpu.enqueue_dma source(%dma_start3A_31 : memref<200x128xf32, #tpu.memory_space<hbm>>) target(%arg8 : memref<200x128xf32, #tpu.memory_space<vmem>>) target_semaphore(%arg14 : memref<!tpu.dma_semaphore, #tpu.memory_space<semaphore_mem>>)
    %broadcast_in_dim3A = arith.constant 0.000000e+00 : f32
    %broadcast_in_dim3A_32 = vector.broadcast %broadcast_in_dim3A : f32 to vector<16xf32>
    %broadcast_in_dim3A_33 = arith.constant 0.000000e+00 : f32
    %broadcast_in_dim3A_34 = vector.broadcast %broadcast_in_dim3A_33 : f32 to vector<16xf32>
    %broadcast_in_dim3A_35 = arith.constant 0.000000e+00 : f32
    %broadcast_in_dim3A_36 = vector.broadcast %broadcast_in_dim3A_35 : f32 to vector<16xf32>
    %broadcast_in_dim3A_37 = arith.constant 0.000000e+00 : f32
    %broadcast_in_dim3A_38 = vector.broadcast %broadcast_in_dim3A_37 : f32 to vector<16xf32>
    %broadcast_in_dim3A_39 = arith.constant 0.000000e+00 : f32
    %broadcast_in_dim3A_40 = vector.broadcast %broadcast_in_dim3A_39 : f32 to vector<16xf32>
    %broadcast_in_dim3A_41 = arith.constant 0.000000e+00 : f32
    %broadcast_in_dim3A_42 = vector.broadcast %broadcast_in_dim3A_41 : f32 to vector<16xf32>
    %broadcast_in_dim3A_43 = arith.constant 0.000000e+00 : f32
    %broadcast_in_dim3A_44 = vector.broadcast %broadcast_in_dim3A_43 : f32 to vector<16xf32>
    %broadcast_in_dim3A_45 = arith.constant 0.000000e+00 : f32
    %broadcast_in_dim3A_46 = vector.broadcast %broadcast_in_dim3A_45 : f32 to vector<16xf32>
    %scan3A = arith.constant 0 : i32
    %scan3A_47 = arith.constant 2 : i32
    %scan3A_48 = arith.addi %scan3A, %scan3A_47 : i32
    %scan3A_49 = arith.constant 1 : i32
    %scan3A_50:8 = scf.for %scan3A_99 = %scan3A to %scan3A_48 step %scan3A_49 iter_args(%scan3A_100 = %broadcast_in_dim3A_32, %scan3A_101 = %broadcast_in_dim3A_34, %scan3A_102 = %broadcast_in_dim3A_36, %scan3A_103 = %broadcast_in_dim3A_38, %scan3A_104 = %broadcast_in_dim3A_40, %scan3A_105 = %broadcast_in_dim3A_42, %scan3A_106 = %broadcast_in_dim3A_44, %scan3A_107 = %broadcast_in_dim3A_46) -> (vector<16xf32>, vector<16xf32>, vector<16xf32>, vector<16xf32>, vector<16xf32>, vector<16xf32>, vector<16xf32>, vector<16xf32>)  : i32 {
      %mul3A_108 = arith.constant 5 : i32
      %mul3A_109 = arith.muli %scan3A_99, %mul3A_108 : i32
      %add3A_110 = arith.constant 0 : i32
      %add3A_111 = arith.addi %mul3A_109, %add3A_110 : i32
      %dma_wait3A = arith.constant 0 : i32
      %dma_wait3A_112 = tpu.memref_slice %arg2[%mul3A_2, %dma_wait3A] : memref<320000x128xf32, #tpu.memory_space<hbm>> -> memref<200x128xf32, #tpu.memory_space<hbm>>
      %dma_wait3A_113 = arith.constant 0 : i32
      %dma_wait3A_114 = tpu.memref_slice %arg2[%mul3A_2, %dma_wait3A_113] : memref<320000x128xf32, #tpu.memory_space<hbm>> -> memref<200x128xf32, #tpu.memory_space<hbm>>
      tpu.wait_dma2 semaphore(%arg10 : memref<!tpu.dma_semaphore, #tpu.memory_space<semaphore_mem>>) src(%dma_wait3A_114 : memref<200x128xf32, #tpu.memory_space<hbm>>) dst(%arg4 : memref<200x128xf32, #tpu.memory_space<vmem>>)
      %scan3A_115 = arith.constant 0 : i32
      %scan3A_116 = arith.constant 200 : i32
      %scan3A_117 = arith.addi %scan3A_115, %scan3A_116 : i32
      %scan3A_118 = arith.constant 2 : i32
      %scan3A_119:8 = scf.for %scan3A_209 = %scan3A_115 to %scan3A_117 step %scan3A_118 iter_args(%scan3A_210 = %scan3A_100, %scan3A_211 = %scan3A_101, %scan3A_212 = %scan3A_102, %scan3A_213 = %scan3A_103, %scan3A_214 = %scan3A_104, %scan3A_215 = %scan3A_105, %scan3A_216 = %scan3A_106, %scan3A_217 = %scan3A_107) -> (vector<16xf32>, vector<16xf32>, vector<16xf32>, vector<16xf32>, vector<16xf32>, vector<16xf32>, vector<16xf32>, vector<16xf32>)  : i32 {
        %get3A = arith.index_cast %scan3A_209 : i32 to index
        %get3A_218 = arith.constant 0 : index
        %get3A_219 = tpu.vector_load %arg4[%get3A, %get3A_218] {strides = array<i32>} : memref<200x128xf32, #tpu.memory_space<vmem>>, vector<1x16xf32>,
        %get3A_220 = vector.shape_cast %get3A_219 : vector<1x16xf32> to vector<16xf32>
        %add3A_221 = arith.addf %scan3A_210, %get3A_220 : vector<16xf32>
        %get3A_222 = arith.index_cast %scan3A_209 : i32 to index
        %get3A_223 = arith.constant 16 : index
        %get3A_224 = tpu.vector_load %arg4[%get3A_222, %get3A_223] {strides = array<i32>} : memref<200x128xf32, #tpu.memory_space<vmem>>, vector<1x16xf32>,
        %get3A_225 = vector.shape_cast %get3A_224 : vector<1x16xf32> to vector<16xf32>
        %add3A_226 = arith.addf %scan3A_211, %get3A_225 : vector<16xf32>
        %get3A_227 = arith.index_cast %scan3A_209 : i32 to index
        %get3A_228 = arith.constant 32 : index
        %get3A_229 = tpu.vector_load %arg4[%get3A_227, %get3A_228] {strides = array<i32>} : memref<200x128xf32, #tpu.memory_space<vmem>>, vector<1x16xf32>,
        %get3A_230 = vector.shape_cast %get3A_229 : vector<1x16xf32> to vector<16xf32>
        %add3A_231 = arith.addf %scan3A_212, %get3A_230 : vector<16xf32>
        %get3A_232 = arith.index_cast %scan3A_209 : i32 to index
        %get3A_233 = arith.constant 48 : index
        %get3A_234 = tpu.vector_load %arg4[%get3A_232, %get3A_233] {strides = array<i32>} : memref<200x128xf32, #tpu.memory_space<vmem>>, vector<1x16xf32>,
        %get3A_235 = vector.shape_cast %get3A_234 : vector<1x16xf32> to vector<16xf32>
        %add3A_236 = arith.addf %scan3A_213, %get3A_235 : vector<16xf32>
        %get3A_237 = arith.index_cast %scan3A_209 : i32 to index
        %get3A_238 = arith.constant 64 : index
        %get3A_239 = tpu.vector_load %arg4[%get3A_237, %get3A_238] {strides = array<i32>} : memref<200x128xf32, #tpu.memory_space<vmem>>, vector<1x16xf32>,
        %get3A_240 = vector.shape_cast %get3A_239 : vector<1x16xf32> to vector<16xf32>
        %add3A_241 = arith.addf %scan3A_214, %get3A_240 : vector<16xf32>
        %get3A_242 = arith.index_cast %scan3A_209 : i32 to index
        %get3A_243 = arith.constant 80 : index
        %get3A_244 = tpu.vector_load %arg4[%get3A_242, %get3A_243] {strides = array<i32>} : memref<200x128xf32, #tpu.memory_space<vmem>>, vector<1x16xf32>,
        %get3A_245 = vector.shape_cast %get3A_244 : vector<1x16xf32> to vector<16xf32>
        %add3A_246 = arith.addf %scan3A_215, %get3A_245 : vector<16xf32>
        %get3A_247 = arith.index_cast %scan3A_209 : i32 to index
        %get3A_248 = arith.constant 96 : index
        %get3A_249 = tpu.vector_load %arg4[%get3A_247, %get3A_248] {strides = array<i32>} : memref<200x128xf32, #tpu.memory_space<vmem>>, vector<1x16xf32>,
        %get3A_250 = vector.shape_cast %get3A_249 : vector<1x16xf32> to vector<16xf32>
        %add3A_251 = arith.addf %scan3A_216, %get3A_250 : vector<16xf32>
        %get3A_252 = arith.index_cast %scan3A_209 : i32 to index
        %get3A_253 = arith.constant 112 : index
        %get3A_254 = tpu.vector_load %arg4[%get3A_252, %get3A_253] {strides = array<i32>} : memref<200x128xf32, #tpu.memory_space<vmem>>, vector<1x16xf32>,
        %get3A_255 = vector.shape_cast %get3A_254 : vector<1x16xf32> to vector<16xf32>
        %add3A_256 = arith.addf %scan3A_217, %get3A_255 : vector<16xf32>
        %scan3A_257 = arith.constant 1 : i32
        %scan3A_258 = arith.addi %scan3A_209, %scan3A_257 : i32
        %get3A_259 = arith.index_cast %scan3A_258 : i32 to index
        %get3A_260 = arith.constant 0 : index
        %get3A_261 = tpu.vector_load %arg4[%get3A_259, %get3A_260] {strides = array<i32>} : memref<200x128xf32, #tpu.memory_space<vmem>>, vector<1x16xf32>,
        %get3A_262 = vector.shape_cast %get3A_261 : vector<1x16xf32> to vector<16xf32>
        %add3A_263 = arith.addf %add3A_221, %get3A_262 : vector<16xf32>
        %get3A_264 = arith.index_cast %scan3A_258 : i32 to index
        %get3A_265 = arith.constant 16 : index
        %get3A_266 = tpu.vector_load %arg4[%get3A_264, %get3A_265] {strides = array<i32>} : memref<200x128xf32, #tpu.memory_space<vmem>>, vector<1x16xf32>,
        %get3A_267 = vector.shape_cast %get3A_266 : vector<1x16xf32> to vector<16xf32>
        %add3A_268 = arith.addf %add3A_226, %get3A_267 : vector<16xf32>
        %get3A_269 = arith.index_cast %scan3A_258 : i32 to index
        %get3A_270 = arith.constant 32 : index
        %get3A_271 = tpu.vector_load %arg4[%get3A_269, %get3A_270] {strides = array<i32>} : memref<200x128xf32, #tpu.memory_space<vmem>>, vector<1x16xf32>,
        %get3A_272 = vector.shape_cast %get3A_271 : vector<1x16xf32> to vector<16xf32>
        %add3A_273 = arith.addf %add3A_231, %get3A_272 : vector<16xf32>
        %get3A_274 = arith.index_cast %scan3A_258 : i32 to index
        %get3A_275 = arith.constant 48 : index
        %get3A_276 = tpu.vector_load %arg4[%get3A_274, %get3A_275] {strides = array<i32>} : memref<200x128xf32, #tpu.memory_space<vmem>>, vector<1x16xf32>,
        %get3A_277 = vector.shape_cast %get3A_276 : vector<1x16xf32> to vector<16xf32>
        %add3A_278 = arith.addf %add3A_236, %get3A_277 : vector<16xf32>
        %get3A_279 = arith.index_cast %scan3A_258 : i32 to index
        %get3A_280 = arith.constant 64 : index
        %get3A_281 = tpu.vector_load %arg4[%get3A_279, %get3A_280] {strides = array<i32>} : memref<200x128xf32, #tpu.memory_space<vmem>>, vector<1x16xf32>,
        %get3A_282 = vector.shape_cast %get3A_281 : vector<1x16xf32> to vector<16xf32>
        %add3A_283 = arith.addf %add3A_241, %get3A_282 : vector<16xf32>
        %get3A_284 = arith.index_cast %scan3A_258 : i32 to index
        %get3A_285 = arith.constant 80 : index
        %get3A_286 = tpu.vector_load %arg4[%get3A_284, %get3A_285] {strides = array<i32>} : memref<200x128xf32, #tpu.memory_space<vmem>>, vector<1x16xf32>,
        %get3A_287 = vector.shape_cast %get3A_286 : vector<1x16xf32> to vector<16xf32>
        %add3A_288 = arith.addf %add3A_246, %get3A_287 : vector<16xf32>
        %get3A_289 = arith.index_cast %scan3A_258 : i32 to index
        %get3A_290 = arith.constant 96 : index
        %get3A_291 = tpu.vector_load %arg4[%get3A_289, %get3A_290] {strides = array<i32>} : memref<200x128xf32, #tpu.memory_space<vmem>>, vector<1x16xf32>,
        %get3A_292 = vector.shape_cast %get3A_291 : vector<1x16xf32> to vector<16xf32>
        %add3A_293 = arith.addf %add3A_251, %get3A_292 : vector<16xf32>
        %get3A_294 = arith.index_cast %scan3A_258 : i32 to index
        %get3A_295 = arith.constant 112 : index
        %get3A_296 = tpu.vector_load %arg4[%get3A_294, %get3A_295] {strides = array<i32>} : memref<200x128xf32, #tpu.memory_space<vmem>>, vector<1x16xf32>,
        %get3A_297 = vector.shape_cast %get3A_296 : vector<1x16xf32> to vector<16xf32>
        %add3A_298 = arith.addf %add3A_256, %get3A_297 : vector<16xf32>
        scf.yield %add3A_263, %add3A_268, %add3A_273, %add3A_278, %add3A_283, %add3A_288, %add3A_293, %add3A_298 : vector<16xf32>, vector<16xf32>, vector<16xf32>, vector<16xf32>, vector<16xf32>, vector<16xf32>, vector<16xf32>, vector<16xf32>
      }
      %scan3A_120 = arith.constant 200 : i32
      %add3A_121 = arith.constant 5 : i32
      %add3A_122 = arith.addi %add3A_111, %add3A_121 : i32
      %lt3A = arith.constant 10 : i32
      %lt3A_123 = arith.cmpi slt, %add3A_122, %lt3A : i32
      %convert_element_type3A = arith.extui %lt3A_123 : i1 to i32
      %cond3A = arith.constant 0 : i32
      %cond3A_124 = arith.cmpi ne, %convert_element_type3A, %cond3A : i32
      scf.if %cond3A_124 {
        %mul3A_209 = arith.constant 200 : i32
        %mul3A_210 = arith.muli %add3A_122, %mul3A_209 : i32
        %add3A_211 = arith.addi %mul3A_2, %mul3A_210 : i32
        %dma_start3A_212 = arith.constant 0 : i32
        %dma_start3A_213 = tpu.memref_slice %arg2[%add3A_211, %dma_start3A_212] : memref<320000x128xf32, #tpu.memory_space<hbm>> -> memref<200x128xf32, #tpu.memory_space<hbm>>
        %dma_start3A_214 = arith.constant 0 : i32
        %dma_start3A_215 = tpu.memref_slice %arg2[%add3A_211, %dma_start3A_214] : memref<320000x128xf32, #tpu.memory_space<hbm>> -> memref<200x128xf32, #tpu.memory_space<hbm>>
        tpu.enqueue_dma source(%dma_start3A_215 : memref<200x128xf32, #tpu.memory_space<hbm>>) target(%arg4 : memref<200x128xf32, #tpu.memory_space<vmem>>) target_semaphore(%arg10 : memref<!tpu.dma_semaphore, #tpu.memory_space<semaphore_mem>>)
      } else {
      }
      %mul3A_125 = arith.constant 5 : i32
      %mul3A_126 = arith.muli %scan3A_99, %mul3A_125 : i32
      %add3A_127 = arith.constant 1 : i32
      %add3A_128 = arith.addi %mul3A_126, %add3A_127 : i32
      %dma_wait3A_129 = arith.constant 0 : i32
      %dma_wait3A_130 = tpu.memref_slice %arg2[%mul3A_2, %dma_wait3A_129] : memref<320000x128xf32, #tpu.memory_space<hbm>> -> memref<200x128xf32, #tpu.memory_space<hbm>>
      %dma_wait3A_131 = arith.constant 0 : i32
      %dma_wait3A_132 = tpu.memref_slice %arg2[%mul3A_2, %dma_wait3A_131] : memref<320000x128xf32, #tpu.memory_space<hbm>> -> memref<200x128xf32, #tpu.memory_space<hbm>>
      tpu.wait_dma2 semaphore(%arg11 : memref<!tpu.dma_semaphore, #tpu.memory_space<semaphore_mem>>) src(%dma_wait3A_132 : memref<200x128xf32, #tpu.memory_space<hbm>>) dst(%arg5 : memref<200x128xf32, #tpu.memory_space<vmem>>)
      %scan3A_133 = arith.constant 0 : i32
      %scan3A_134 = arith.constant 200 : i32
      %scan3A_135 = arith.addi %scan3A_133, %scan3A_134 : i32
      %scan3A_136 = arith.constant 2 : i32
      %scan3A_137:8 = scf.for %scan3A_209 = %scan3A_133 to %scan3A_135 step %scan3A_136 iter_args(%scan3A_210 = %scan3A_119#0, %scan3A_211 = %scan3A_119#1, %scan3A_212 = %scan3A_119#2, %scan3A_213 = %scan3A_119#3, %scan3A_214 = %scan3A_119#4, %scan3A_215 = %scan3A_119#5, %scan3A_216 = %scan3A_119#6, %scan3A_217 = %scan3A_119#7) -> (vector<16xf32>, vector<16xf32>, vector<16xf32>, vector<16xf32>, vector<16xf32>, vector<16xf32>, vector<16xf32>, vector<16xf32>)  : i32 {
        %get3A = arith.index_cast %scan3A_209 : i32 to index
        %get3A_218 = arith.constant 0 : index
        %get3A_219 = tpu.vector_load %arg5[%get3A, %get3A_218] {strides = array<i32>} : memref<200x128xf32, #tpu.memory_space<vmem>>, vector<1x16xf32>,
        %get3A_220 = vector.shape_cast %get3A_219 : vector<1x16xf32> to vector<16xf32>
        %add3A_221 = arith.addf %scan3A_210, %get3A_220 : vector<16xf32>
        %get3A_222 = arith.index_cast %scan3A_209 : i32 to index
        %get3A_223 = arith.constant 16 : index
        %get3A_224 = tpu.vector_load %arg5[%get3A_222, %get3A_223] {strides = array<i32>} : memref<200x128xf32, #tpu.memory_space<vmem>>, vector<1x16xf32>,
        %get3A_225 = vector.shape_cast %get3A_224 : vector<1x16xf32> to vector<16xf32>
        %add3A_226 = arith.addf %scan3A_211, %get3A_225 : vector<16xf32>
        %get3A_227 = arith.index_cast %scan3A_209 : i32 to index
        %get3A_228 = arith.constant 32 : index
        %get3A_229 = tpu.vector_load %arg5[%get3A_227, %get3A_228] {strides = array<i32>} : memref<200x128xf32, #tpu.memory_space<vmem>>, vector<1x16xf32>,
        %get3A_230 = vector.shape_cast %get3A_229 : vector<1x16xf32> to vector<16xf32>
        %add3A_231 = arith.addf %scan3A_212, %get3A_230 : vector<16xf32>
        %get3A_232 = arith.index_cast %scan3A_209 : i32 to index
        %get3A_233 = arith.constant 48 : index
        %get3A_234 = tpu.vector_load %arg5[%get3A_232, %get3A_233] {strides = array<i32>} : memref<200x128xf32, #tpu.memory_space<vmem>>, vector<1x16xf32>,
        %get3A_235 = vector.shape_cast %get3A_234 : vector<1x16xf32> to vector<16xf32>
        %add3A_236 = arith.addf %scan3A_213, %get3A_235 : vector<16xf32>
        %get3A_237 = arith.index_cast %scan3A_209 : i32 to index
        %get3A_238 = arith.constant 64 : index
        %get3A_239 = tpu.vector_load %arg5[%get3A_237, %get3A_238] {strides = array<i32>} : memref<200x128xf32, #tpu.memory_space<vmem>>, vector<1x16xf32>,
        %get3A_240 = vector.shape_cast %get3A_239 : vector<1x16xf32> to vector<16xf32>
        %add3A_241 = arith.addf %scan3A_214, %get3A_240 : vector<16xf32>
        %get3A_242 = arith.index_cast %scan3A_209 : i32 to index
        %get3A_243 = arith.constant 80 : index
        %get3A_244 = tpu.vector_load %arg5[%get3A_242, %get3A_243] {strides = array<i32>} : memref<200x128xf32, #tpu.memory_space<vmem>>, vector<1x16xf32>,
        %get3A_245 = vector.shape_cast %get3A_244 : vector<1x16xf32> to vector<16xf32>
        %add3A_246 = arith.addf %scan3A_215, %get3A_245 : vector<16xf32>
        %get3A_247 = arith.index_cast %scan3A_209 : i32 to index
        %get3A_248 = arith.constant 96 : index
        %get3A_249 = tpu.vector_load %arg5[%get3A_247, %get3A_248] {strides = array<i32>} : memref<200x128xf32, #tpu.memory_space<vmem>>, vector<1x16xf32>,
        %get3A_250 = vector.shape_cast %get3A_249 : vector<1x16xf32> to vector<16xf32>
        %add3A_251 = arith.addf %scan3A_216, %get3A_250 : vector<16xf32>
        %get3A_252 = arith.index_cast %scan3A_209 : i32 to index
        %get3A_253 = arith.constant 112 : index
        %get3A_254 = tpu.vector_load %arg5[%get3A_252, %get3A_253] {strides = array<i32>} : memref<200x128xf32, #tpu.memory_space<vmem>>, vector<1x16xf32>,
        %get3A_255 = vector.shape_cast %get3A_254 : vector<1x16xf32> to vector<16xf32>
        %add3A_256 = arith.addf %scan3A_217, %get3A_255 : vector<16xf32>
        %scan3A_257 = arith.constant 1 : i32
        %scan3A_258 = arith.addi %scan3A_209, %scan3A_257 : i32
        %get3A_259 = arith.index_cast %scan3A_258 : i32 to index
        %get3A_260 = arith.constant 0 : index
        %get3A_261 = tpu.vector_load %arg5[%get3A_259, %get3A_260] {strides = array<i32>} : memref<200x128xf32, #tpu.memory_space<vmem>>, vector<1x16xf32>,
        %get3A_262 = vector.shape_cast %get3A_261 : vector<1x16xf32> to vector<16xf32>
        %add3A_263 = arith.addf %add3A_221, %get3A_262 : vector<16xf32>
        %get3A_264 = arith.index_cast %scan3A_258 : i32 to index
        %get3A_265 = arith.constant 16 : index
        %get3A_266 = tpu.vector_load %arg5[%get3A_264, %get3A_265] {strides = array<i32>} : memref<200x128xf32, #tpu.memory_space<vmem>>, vector<1x16xf32>,
        %get3A_267 = vector.shape_cast %get3A_266 : vector<1x16xf32> to vector<16xf32>
        %add3A_268 = arith.addf %add3A_226, %get3A_267 : vector<16xf32>
        %get3A_269 = arith.index_cast %scan3A_258 : i32 to index
        %get3A_270 = arith.constant 32 : index
        %get3A_271 = tpu.vector_load %arg5[%get3A_269, %get3A_270] {strides = array<i32>} : memref<200x128xf32, #tpu.memory_space<vmem>>, vector<1x16xf32>,
        %get3A_272 = vector.shape_cast %get3A_271 : vector<1x16xf32> to vector<16xf32>
        %add3A_273 = arith.addf %add3A_231, %get3A_272 : vector<16xf32>
        %get3A_274 = arith.index_cast %scan3A_258 : i32 to index
        %get3A_275 = arith.constant 48 : index
        %get3A_276 = tpu.vector_load %arg5[%get3A_274, %get3A_275] {strides = array<i32>} : memref<200x128xf32, #tpu.memory_space<vmem>>, vector<1x16xf32>,
        %get3A_277 = vector.shape_cast %get3A_276 : vector<1x16xf32> to vector<16xf32>
        %add3A_278 = arith.addf %add3A_236, %get3A_277 : vector<16xf32>
        %get3A_279 = arith.index_cast %scan3A_258 : i32 to index
        %get3A_280 = arith.constant 64 : index
        %get3A_281 = tpu.vector_load %arg5[%get3A_279, %get3A_280] {strides = array<i32>} : memref<200x128xf32, #tpu.memory_space<vmem>>, vector<1x16xf32>,
        %get3A_282 = vector.shape_cast %get3A_281 : vector<1x16xf32> to vector<16xf32>
        %add3A_283 = arith.addf %add3A_241, %get3A_282 : vector<16xf32>
        %get3A_284 = arith.index_cast %scan3A_258 : i32 to index
        %get3A_285 = arith.constant 80 : index
        %get3A_286 = tpu.vector_load %arg5[%get3A_284, %get3A_285] {strides = array<i32>} : memref<200x128xf32, #tpu.memory_space<vmem>>, vector<1x16xf32>,
        %get3A_287 = vector.shape_cast %get3A_286 : vector<1x16xf32> to vector<16xf32>
        %add3A_288 = arith.addf %add3A_246, %get3A_287 : vector<16xf32>
        %get3A_289 = arith.index_cast %scan3A_258 : i32 to index
        %get3A_290 = arith.constant 96 : index
        %get3A_291 = tpu.vector_load %arg5[%get3A_289, %get3A_290] {strides = array<i32>} : memref<200x128xf32, #tpu.memory_space<vmem>>, vector<1x16xf32>,
        %get3A_292 = vector.shape_cast %get3A_291 : vector<1x16xf32> to vector<16xf32>
        %add3A_293 = arith.addf %add3A_251, %get3A_292 : vector<16xf32>
        %get3A_294 = arith.index_cast %scan3A_258 : i32 to index
        %get3A_295 = arith.constant 112 : index
        %get3A_296 = tpu.vector_load %arg5[%get3A_294, %get3A_295] {strides = array<i32>} : memref<200x128xf32, #tpu.memory_space<vmem>>, vector<1x16xf32>,
        %get3A_297 = vector.shape_cast %get3A_296 : vector<1x16xf32> to vector<16xf32>
        %add3A_298 = arith.addf %add3A_256, %get3A_297 : vector<16xf32>
        scf.yield %add3A_263, %add3A_268, %add3A_273, %add3A_278, %add3A_283, %add3A_288, %add3A_293, %add3A_298 : vector<16xf32>, vector<16xf32>, vector<16xf32>, vector<16xf32>, vector<16xf32>, vector<16xf32>, vector<16xf32>, vector<16xf32>
      }
      %scan3A_138 = arith.constant 200 : i32
      %add3A_139 = arith.constant 5 : i32
      %add3A_140 = arith.addi %add3A_128, %add3A_139 : i32
      %lt3A_141 = arith.constant 10 : i32
      %lt3A_142 = arith.cmpi slt, %add3A_140, %lt3A_141 : i32
      %convert_element_type3A_143 = arith.extui %lt3A_142 : i1 to i32
      %cond3A_144 = arith.constant 0 : i32
      %cond3A_145 = arith.cmpi ne, %convert_element_type3A_143, %cond3A_144 : i32
      scf.if %cond3A_145 {
        %mul3A_209 = arith.constant 200 : i32
        %mul3A_210 = arith.muli %add3A_140, %mul3A_209 : i32
        %add3A_211 = arith.addi %mul3A_2, %mul3A_210 : i32
        %dma_start3A_212 = arith.constant 0 : i32
        %dma_start3A_213 = tpu.memref_slice %arg2[%add3A_211, %dma_start3A_212] : memref<320000x128xf32, #tpu.memory_space<hbm>> -> memref<200x128xf32, #tpu.memory_space<hbm>>
        %dma_start3A_214 = arith.constant 0 : i32
        %dma_start3A_215 = tpu.memref_slice %arg2[%add3A_211, %dma_start3A_214] : memref<320000x128xf32, #tpu.memory_space<hbm>> -> memref<200x128xf32, #tpu.memory_space<hbm>>
        tpu.enqueue_dma source(%dma_start3A_215 : memref<200x128xf32, #tpu.memory_space<hbm>>) target(%arg5 : memref<200x128xf32, #tpu.memory_space<vmem>>) target_semaphore(%arg11 : memref<!tpu.dma_semaphore, #tpu.memory_space<semaphore_mem>>)
      } else {
      }
      %mul3A_146 = arith.constant 5 : i32
      %mul3A_147 = arith.muli %scan3A_99, %mul3A_146 : i32
      %add3A_148 = arith.constant 2 : i32
      %add3A_149 = arith.addi %mul3A_147, %add3A_148 : i32
      %dma_wait3A_150 = arith.constant 0 : i32
      %dma_wait3A_151 = tpu.memref_slice %arg2[%mul3A_2, %dma_wait3A_150] : memref<320000x128xf32, #tpu.memory_space<hbm>> -> memref<200x128xf32, #tpu.memory_space<hbm>>
      %dma_wait3A_152 = arith.constant 0 : i32
      %dma_wait3A_153 = tpu.memref_slice %arg2[%mul3A_2, %dma_wait3A_152] : memref<320000x128xf32, #tpu.memory_space<hbm>> -> memref<200x128xf32, #tpu.memory_space<hbm>>
      tpu.wait_dma2 semaphore(%arg12 : memref<!tpu.dma_semaphore, #tpu.memory_space<semaphore_mem>>) src(%dma_wait3A_153 : memref<200x128xf32, #tpu.memory_space<hbm>>) dst(%arg6 : memref<200x128xf32, #tpu.memory_space<vmem>>)
      %scan3A_154 = arith.constant 0 : i32
      %scan3A_155 = arith.constant 200 : i32
      %scan3A_156 = arith.addi %scan3A_154, %scan3A_155 : i32
      %scan3A_157 = arith.constant 2 : i32
      %scan3A_158:8 = scf.for %scan3A_209 = %scan3A_154 to %scan3A_156 step %scan3A_157 iter_args(%scan3A_210 = %scan3A_137#0, %scan3A_211 = %scan3A_137#1, %scan3A_212 = %scan3A_137#2, %scan3A_213 = %scan3A_137#3, %scan3A_214 = %scan3A_137#4, %scan3A_215 = %scan3A_137#5, %scan3A_216 = %scan3A_137#6, %scan3A_217 = %scan3A_137#7) -> (vector<16xf32>, vector<16xf32>, vector<16xf32>, vector<16xf32>, vector<16xf32>, vector<16xf32>, vector<16xf32>, vector<16xf32>)  : i32 {
        %get3A = arith.index_cast %scan3A_209 : i32 to index
        %get3A_218 = arith.constant 0 : index
        %get3A_219 = tpu.vector_load %arg6[%get3A, %get3A_218] {strides = array<i32>} : memref<200x128xf32, #tpu.memory_space<vmem>>, vector<1x16xf32>,
        %get3A_220 = vector.shape_cast %get3A_219 : vector<1x16xf32> to vector<16xf32>
        %add3A_221 = arith.addf %scan3A_210, %get3A_220 : vector<16xf32>
        %get3A_222 = arith.index_cast %scan3A_209 : i32 to index
        %get3A_223 = arith.constant 16 : index
        %get3A_224 = tpu.vector_load %arg6[%get3A_222, %get3A_223] {strides = array<i32>} : memref<200x128xf32, #tpu.memory_space<vmem>>, vector<1x16xf32>,
        %get3A_225 = vector.shape_cast %get3A_224 : vector<1x16xf32> to vector<16xf32>
        %add3A_226 = arith.addf %scan3A_211, %get3A_225 : vector<16xf32>
        %get3A_227 = arith.index_cast %scan3A_209 : i32 to index
        %get3A_228 = arith.constant 32 : index
        %get3A_229 = tpu.vector_load %arg6[%get3A_227, %get3A_228] {strides = array<i32>} : memref<200x128xf32, #tpu.memory_space<vmem>>, vector<1x16xf32>,
        %get3A_230 = vector.shape_cast %get3A_229 : vector<1x16xf32> to vector<16xf32>
        %add3A_231 = arith.addf %scan3A_212, %get3A_230 : vector<16xf32>
        %get3A_232 = arith.index_cast %scan3A_209 : i32 to index
        %get3A_233 = arith.constant 48 : index
        %get3A_234 = tpu.vector_load %arg6[%get3A_232, %get3A_233] {strides = array<i32>} : memref<200x128xf32, #tpu.memory_space<vmem>>, vector<1x16xf32>,
        %get3A_235 = vector.shape_cast %get3A_234 : vector<1x16xf32> to vector<16xf32>
        %add3A_236 = arith.addf %scan3A_213, %get3A_235 : vector<16xf32>
        %get3A_237 = arith.index_cast %scan3A_209 : i32 to index
        %get3A_238 = arith.constant 64 : index
        %get3A_239 = tpu.vector_load %arg6[%get3A_237, %get3A_238] {strides = array<i32>} : memref<200x128xf32, #tpu.memory_space<vmem>>, vector<1x16xf32>,
        %get3A_240 = vector.shape_cast %get3A_239 : vector<1x16xf32> to vector<16xf32>
        %add3A_241 = arith.addf %scan3A_214, %get3A_240 : vector<16xf32>
        %get3A_242 = arith.index_cast %scan3A_209 : i32 to index
        %get3A_243 = arith.constant 80 : index
        %get3A_244 = tpu.vector_load %arg6[%get3A_242, %get3A_243] {strides = array<i32>} : memref<200x128xf32, #tpu.memory_space<vmem>>, vector<1x16xf32>,
        %get3A_245 = vector.shape_cast %get3A_244 : vector<1x16xf32> to vector<16xf32>
        %add3A_246 = arith.addf %scan3A_215, %get3A_245 : vector<16xf32>
        %get3A_247 = arith.index_cast %scan3A_209 : i32 to index
        %get3A_248 = arith.constant 96 : index
        %get3A_249 = tpu.vector_load %arg6[%get3A_247, %get3A_248] {strides = array<i32>} : memref<200x128xf32, #tpu.memory_space<vmem>>, vector<1x16xf32>,
        %get3A_250 = vector.shape_cast %get3A_249 : vector<1x16xf32> to vector<16xf32>
        %add3A_251 = arith.addf %scan3A_216, %get3A_250 : vector<16xf32>
        %get3A_252 = arith.index_cast %scan3A_209 : i32 to index
        %get3A_253 = arith.constant 112 : index
        %get3A_254 = tpu.vector_load %arg6[%get3A_252, %get3A_253] {strides = array<i32>} : memref<200x128xf32, #tpu.memory_space<vmem>>, vector<1x16xf32>,
        %get3A_255 = vector.shape_cast %get3A_254 : vector<1x16xf32> to vector<16xf32>
        %add3A_256 = arith.addf %scan3A_217, %get3A_255 : vector<16xf32>
        %scan3A_257 = arith.constant 1 : i32
        %scan3A_258 = arith.addi %scan3A_209, %scan3A_257 : i32
        %get3A_259 = arith.index_cast %scan3A_258 : i32 to index
        %get3A_260 = arith.constant 0 : index
        %get3A_261 = tpu.vector_load %arg6[%get3A_259, %get3A_260] {strides = array<i32>} : memref<200x128xf32, #tpu.memory_space<vmem>>, vector<1x16xf32>,
        %get3A_262 = vector.shape_cast %get3A_261 : vector<1x16xf32> to vector<16xf32>
        %add3A_263 = arith.addf %add3A_221, %get3A_262 : vector<16xf32>
        %get3A_264 = arith.index_cast %scan3A_258 : i32 to index
        %get3A_265 = arith.constant 16 : index
        %get3A_266 = tpu.vector_load %arg6[%get3A_264, %get3A_265] {strides = array<i32>} : memref<200x128xf32, #tpu.memory_space<vmem>>, vector<1x16xf32>,
        %get3A_267 = vector.shape_cast %get3A_266 : vector<1x16xf32> to vector<16xf32>
        %add3A_268 = arith.addf %add3A_226, %get3A_267 : vector<16xf32>
        %get3A_269 = arith.index_cast %scan3A_258 : i32 to index
        %get3A_270 = arith.constant 32 : index
        %get3A_271 = tpu.vector_load %arg6[%get3A_269, %get3A_270] {strides = array<i32>} : memref<200x128xf32, #tpu.memory_space<vmem>>, vector<1x16xf32>,
        %get3A_272 = vector.shape_cast %get3A_271 : vector<1x16xf32> to vector<16xf32>
        %add3A_273 = arith.addf %add3A_231, %get3A_272 : vector<16xf32>
        %get3A_274 = arith.index_cast %scan3A_258 : i32 to index
        %get3A_275 = arith.constant 48 : index
        %get3A_276 = tpu.vector_load %arg6[%get3A_274, %get3A_275] {strides = array<i32>} : memref<200x128xf32, #tpu.memory_space<vmem>>, vector<1x16xf32>,
        %get3A_277 = vector.shape_cast %get3A_276 : vector<1x16xf32> to vector<16xf32>
        %add3A_278 = arith.addf %add3A_236, %get3A_277 : vector<16xf32>
        %get3A_279 = arith.index_cast %scan3A_258 : i32 to index
        %get3A_280 = arith.constant 64 : index
        %get3A_281 = tpu.vector_load %arg6[%get3A_279, %get3A_280] {strides = array<i32>} : memref<200x128xf32, #tpu.memory_space<vmem>>, vector<1x16xf32>,
        %get3A_282 = vector.shape_cast %get3A_281 : vector<1x16xf32> to vector<16xf32>
        %add3A_283 = arith.addf %add3A_241, %get3A_282 : vector<16xf32>
        %get3A_284 = arith.index_cast %scan3A_258 : i32 to index
        %get3A_285 = arith.constant 80 : index
        %get3A_286 = tpu.vector_load %arg6[%get3A_284, %get3A_285] {strides = array<i32>} : memref<200x128xf32, #tpu.memory_space<vmem>>, vector<1x16xf32>,
        %get3A_287 = vector.shape_cast %get3A_286 : vector<1x16xf32> to vector<16xf32>
        %add3A_288 = arith.addf %add3A_246, %get3A_287 : vector<16xf32>
        %get3A_289 = arith.index_cast %scan3A_258 : i32 to index
        %get3A_290 = arith.constant 96 : index
        %get3A_291 = tpu.vector_load %arg6[%get3A_289, %get3A_290] {strides = array<i32>} : memref<200x128xf32, #tpu.memory_space<vmem>>, vector<1x16xf32>,
        %get3A_292 = vector.shape_cast %get3A_291 : vector<1x16xf32> to vector<16xf32>
        %add3A_293 = arith.addf %add3A_251, %get3A_292 : vector<16xf32>
        %get3A_294 = arith.index_cast %scan3A_258 : i32 to index
        %get3A_295 = arith.constant 112 : index
        %get3A_296 = tpu.vector_load %arg6[%get3A_294, %get3A_295] {strides = array<i32>} : memref<200x128xf32, #tpu.memory_space<vmem>>, vector<1x16xf32>,
        %get3A_297 = vector.shape_cast %get3A_296 : vector<1x16xf32> to vector<16xf32>
        %add3A_298 = arith.addf %add3A_256, %get3A_297 : vector<16xf32>
        scf.yield %add3A_263, %add3A_268, %add3A_273, %add3A_278, %add3A_283, %add3A_288, %add3A_293, %add3A_298 : vector<16xf32>, vector<16xf32>, vector<16xf32>, vector<16xf32>, vector<16xf32>, vector<16xf32>, vector<16xf32>, vector<16xf32>
      }
      %scan3A_159 = arith.constant 200 : i32
      %add3A_160 = arith.constant 5 : i32
      %add3A_161 = arith.addi %add3A_149, %add3A_160 : i32
      %lt3A_162 = arith.constant 10 : i32
      %lt3A_163 = arith.cmpi slt, %add3A_161, %lt3A_162 : i32
      %convert_element_type3A_164 = arith.extui %lt3A_163 : i1 to i32
      %cond3A_165 = arith.constant 0 : i32
      %cond3A_166 = arith.cmpi ne, %convert_element_type3A_164, %cond3A_165 : i32
      scf.if %cond3A_166 {
        %mul3A_209 = arith.constant 200 : i32
        %mul3A_210 = arith.muli %add3A_161, %mul3A_209 : i32
        %add3A_211 = arith.addi %mul3A_2, %mul3A_210 : i32
        %dma_start3A_212 = arith.constant 0 : i32
        %dma_start3A_213 = tpu.memref_slice %arg2[%add3A_211, %dma_start3A_212] : memref<320000x128xf32, #tpu.memory_space<hbm>> -> memref<200x128xf32, #tpu.memory_space<hbm>>
        %dma_start3A_214 = arith.constant 0 : i32
        %dma_start3A_215 = tpu.memref_slice %arg2[%add3A_211, %dma_start3A_214] : memref<320000x128xf32, #tpu.memory_space<hbm>> -> memref<200x128xf32, #tpu.memory_space<hbm>>
        tpu.enqueue_dma source(%dma_start3A_215 : memref<200x128xf32, #tpu.memory_space<hbm>>) target(%arg6 : memref<200x128xf32, #tpu.memory_space<vmem>>) target_semaphore(%arg12 : memref<!tpu.dma_semaphore, #tpu.memory_space<semaphore_mem>>)
      } else {
      }
      %mul3A_167 = arith.constant 5 : i32
      %mul3A_168 = arith.muli %scan3A_99, %mul3A_167 : i32
      %add3A_169 = arith.constant 3 : i32
      %add3A_170 = arith.addi %mul3A_168, %add3A_169 : i32
      %dma_wait3A_171 = arith.constant 0 : i32
      %dma_wait3A_172 = tpu.memref_slice %arg2[%mul3A_2, %dma_wait3A_171] : memref<320000x128xf32, #tpu.memory_space<hbm>> -> memref<200x128xf32, #tpu.memory_space<hbm>>
      %dma_wait3A_173 = arith.constant 0 : i32
      %dma_wait3A_174 = tpu.memref_slice %arg2[%mul3A_2, %dma_wait3A_173] : memref<320000x128xf32, #tpu.memory_space<hbm>> -> memref<200x128xf32, #tpu.memory_space<hbm>>
      tpu.wait_dma2 semaphore(%arg13 : memref<!tpu.dma_semaphore, #tpu.memory_space<semaphore_mem>>) src(%dma_wait3A_174 : memref<200x128xf32, #tpu.memory_space<hbm>>) dst(%arg7 : memref<200x128xf32, #tpu.memory_space<vmem>>)
      %scan3A_175 = arith.constant 0 : i32
      %scan3A_176 = arith.constant 200 : i32
      %scan3A_177 = arith.addi %scan3A_175, %scan3A_176 : i32
      %scan3A_178 = arith.constant 2 : i32
      %scan3A_179:8 = scf.for %scan3A_209 = %scan3A_175 to %scan3A_177 step %scan3A_178 iter_args(%scan3A_210 = %scan3A_158#0, %scan3A_211 = %scan3A_158#1, %scan3A_212 = %scan3A_158#2, %scan3A_213 = %scan3A_158#3, %scan3A_214 = %scan3A_158#4, %scan3A_215 = %scan3A_158#5, %scan3A_216 = %scan3A_158#6, %scan3A_217 = %scan3A_158#7) -> (vector<16xf32>, vector<16xf32>, vector<16xf32>, vector<16xf32>, vector<16xf32>, vector<16xf32>, vector<16xf32>, vector<16xf32>)  : i32 {
        %get3A = arith.index_cast %scan3A_209 : i32 to index
        %get3A_218 = arith.constant 0 : index
        %get3A_219 = tpu.vector_load %arg7[%get3A, %get3A_218] {strides = array<i32>} : memref<200x128xf32, #tpu.memory_space<vmem>>, vector<1x16xf32>,
        %get3A_220 = vector.shape_cast %get3A_219 : vector<1x16xf32> to vector<16xf32>
        %add3A_221 = arith.addf %scan3A_210, %get3A_220 : vector<16xf32>
        %get3A_222 = arith.index_cast %scan3A_209 : i32 to index
        %get3A_223 = arith.constant 16 : index
        %get3A_224 = tpu.vector_load %arg7[%get3A_222, %get3A_223] {strides = array<i32>} : memref<200x128xf32, #tpu.memory_space<vmem>>, vector<1x16xf32>,
        %get3A_225 = vector.shape_cast %get3A_224 : vector<1x16xf32> to vector<16xf32>
        %add3A_226 = arith.addf %scan3A_211, %get3A_225 : vector<16xf32>
        %get3A_227 = arith.index_cast %scan3A_209 : i32 to index
        %get3A_228 = arith.constant 32 : index
        %get3A_229 = tpu.vector_load %arg7[%get3A_227, %get3A_228] {strides = array<i32>} : memref<200x128xf32, #tpu.memory_space<vmem>>, vector<1x16xf32>,
        %get3A_230 = vector.shape_cast %get3A_229 : vector<1x16xf32> to vector<16xf32>
        %add3A_231 = arith.addf %scan3A_212, %get3A_230 : vector<16xf32>
        %get3A_232 = arith.index_cast %scan3A_209 : i32 to index
        %get3A_233 = arith.constant 48 : index
        %get3A_234 = tpu.vector_load %arg7[%get3A_232, %get3A_233] {strides = array<i32>} : memref<200x128xf32, #tpu.memory_space<vmem>>, vector<1x16xf32>,
        %get3A_235 = vector.shape_cast %get3A_234 : vector<1x16xf32> to vector<16xf32>
        %add3A_236 = arith.addf %scan3A_213, %get3A_235 : vector<16xf32>
        %get3A_237 = arith.index_cast %scan3A_209 : i32 to index
        %get3A_238 = arith.constant 64 : index
        %get3A_239 = tpu.vector_load %arg7[%get3A_237, %get3A_238] {strides = array<i32>} : memref<200x128xf32, #tpu.memory_space<vmem>>, vector<1x16xf32>,
        %get3A_240 = vector.shape_cast %get3A_239 : vector<1x16xf32> to vector<16xf32>
        %add3A_241 = arith.addf %scan3A_214, %get3A_240 : vector<16xf32>
        %get3A_242 = arith.index_cast %scan3A_209 : i32 to index
        %get3A_243 = arith.constant 80 : index
        %get3A_244 = tpu.vector_load %arg7[%get3A_242, %get3A_243] {strides = array<i32>} : memref<200x128xf32, #tpu.memory_space<vmem>>, vector<1x16xf32>,
        %get3A_245 = vector.shape_cast %get3A_244 : vector<1x16xf32> to vector<16xf32>
        %add3A_246 = arith.addf %scan3A_215, %get3A_245 : vector<16xf32>
        %get3A_247 = arith.index_cast %scan3A_209 : i32 to index
        %get3A_248 = arith.constant 96 : index
        %get3A_249 = tpu.vector_load %arg7[%get3A_247, %get3A_248] {strides = array<i32>} : memref<200x128xf32, #tpu.memory_space<vmem>>, vector<1x16xf32>,
        %get3A_250 = vector.shape_cast %get3A_249 : vector<1x16xf32> to vector<16xf32>
        %add3A_251 = arith.addf %scan3A_216, %get3A_250 : vector<16xf32>
        %get3A_252 = arith.index_cast %scan3A_209 : i32 to index
        %get3A_253 = arith.constant 112 : index
        %get3A_254 = tpu.vector_load %arg7[%get3A_252, %get3A_253] {strides = array<i32>} : memref<200x128xf32, #tpu.memory_space<vmem>>, vector<1x16xf32>,
        %get3A_255 = vector.shape_cast %get3A_254 : vector<1x16xf32> to vector<16xf32>
        %add3A_256 = arith.addf %scan3A_217, %get3A_255 : vector<16xf32>
        %scan3A_257 = arith.constant 1 : i32
        %scan3A_258 = arith.addi %scan3A_209, %scan3A_257 : i32
        %get3A_259 = arith.index_cast %scan3A_258 : i32 to index
        %get3A_260 = arith.constant 0 : index
        %get3A_261 = tpu.vector_load %arg7[%get3A_259, %get3A_260] {strides = array<i32>} : memref<200x128xf32, #tpu.memory_space<vmem>>, vector<1x16xf32>,
        %get3A_262 = vector.shape_cast %get3A_261 : vector<1x16xf32> to vector<16xf32>
        %add3A_263 = arith.addf %add3A_221, %get3A_262 : vector<16xf32>
        %get3A_264 = arith.index_cast %scan3A_258 : i32 to index
        %get3A_265 = arith.constant 16 : index
        %get3A_266 = tpu.vector_load %arg7[%get3A_264, %get3A_265] {strides = array<i32>} : memref<200x128xf32, #tpu.memory_space<vmem>>, vector<1x16xf32>,
        %get3A_267 = vector.shape_cast %get3A_266 : vector<1x16xf32> to vector<16xf32>
        %add3A_268 = arith.addf %add3A_226, %get3A_267 : vector<16xf32>
        %get3A_269 = arith.index_cast %scan3A_258 : i32 to index
        %get3A_270 = arith.constant 32 : index
        %get3A_271 = tpu.vector_load %arg7[%get3A_269, %get3A_270] {strides = array<i32>} : memref<200x128xf32, #tpu.memory_space<vmem>>, vector<1x16xf32>,
        %get3A_272 = vector.shape_cast %get3A_271 : vector<1x16xf32> to vector<16xf32>
        %add3A_273 = arith.addf %add3A_231, %get3A_272 : vector<16xf32>
        %get3A_274 = arith.index_cast %scan3A_258 : i32 to index
        %get3A_275 = arith.constant 48 : index
        %get3A_276 = tpu.vector_load %arg7[%get3A_274, %get3A_275] {strides = array<i32>} : memref<200x128xf32, #tpu.memory_space<vmem>>, vector<1x16xf32>,
        %get3A_277 = vector.shape_cast %get3A_276 : vector<1x16xf32> to vector<16xf32>
        %add3A_278 = arith.addf %add3A_236, %get3A_277 : vector<16xf32>
        %get3A_279 = arith.index_cast %scan3A_258 : i32 to index
        %get3A_280 = arith.constant 64 : index
        %get3A_281 = tpu.vector_load %arg7[%get3A_279, %get3A_280] {strides = array<i32>} : memref<200x128xf32, #tpu.memory_space<vmem>>, vector<1x16xf32>,
        %get3A_282 = vector.shape_cast %get3A_281 : vector<1x16xf32> to vector<16xf32>
        %add3A_283 = arith.addf %add3A_241, %get3A_282 : vector<16xf32>
        %get3A_284 = arith.index_cast %scan3A_258 : i32 to index
        %get3A_285 = arith.constant 80 : index
        %get3A_286 = tpu.vector_load %arg7[%get3A_284, %get3A_285] {strides = array<i32>} : memref<200x128xf32, #tpu.memory_space<vmem>>, vector<1x16xf32>,
        %get3A_287 = vector.shape_cast %get3A_286 : vector<1x16xf32> to vector<16xf32>
        %add3A_288 = arith.addf %add3A_246, %get3A_287 : vector<16xf32>
        %get3A_289 = arith.index_cast %scan3A_258 : i32 to index
        %get3A_290 = arith.constant 96 : index
        %get3A_291 = tpu.vector_load %arg7[%get3A_289, %get3A_290] {strides = array<i32>} : memref<200x128xf32, #tpu.memory_space<vmem>>, vector<1x16xf32>,
        %get3A_292 = vector.shape_cast %get3A_291 : vector<1x16xf32> to vector<16xf32>
        %add3A_293 = arith.addf %add3A_251, %get3A_292 : vector<16xf32>
        %get3A_294 = arith.index_cast %scan3A_258 : i32 to index
        %get3A_295 = arith.constant 112 : index
        %get3A_296 = tpu.vector_load %arg7[%get3A_294, %get3A_295] {strides = array<i32>} : memref<200x128xf32, #tpu.memory_space<vmem>>, vector<1x16xf32>,
        %get3A_297 = vector.shape_cast %get3A_296 : vector<1x16xf32> to vector<16xf32>
        %add3A_298 = arith.addf %add3A_256, %get3A_297 : vector<16xf32>
        scf.yield %add3A_263, %add3A_268, %add3A_273, %add3A_278, %add3A_283, %add3A_288, %add3A_293, %add3A_298 : vector<16xf32>, vector<16xf32>, vector<16xf32>, vector<16xf32>, vector<16xf32>, vector<16xf32>, vector<16xf32>, vector<16xf32>
      }
      %scan3A_180 = arith.constant 200 : i32
      %add3A_181 = arith.constant 5 : i32
      %add3A_182 = arith.addi %add3A_170, %add3A_181 : i32
      %lt3A_183 = arith.constant 10 : i32
      %lt3A_184 = arith.cmpi slt, %add3A_182, %lt3A_183 : i32
      %convert_element_type3A_185 = arith.extui %lt3A_184 : i1 to i32
      %cond3A_186 = arith.constant 0 : i32
      %cond3A_187 = arith.cmpi ne, %convert_element_type3A_185, %cond3A_186 : i32
      scf.if %cond3A_187 {
        %mul3A_209 = arith.constant 200 : i32
        %mul3A_210 = arith.muli %add3A_182, %mul3A_209 : i32
        %add3A_211 = arith.addi %mul3A_2, %mul3A_210 : i32
        %dma_start3A_212 = arith.constant 0 : i32
        %dma_start3A_213 = tpu.memref_slice %arg2[%add3A_211, %dma_start3A_212] : memref<320000x128xf32, #tpu.memory_space<hbm>> -> memref<200x128xf32, #tpu.memory_space<hbm>>
        %dma_start3A_214 = arith.constant 0 : i32
        %dma_start3A_215 = tpu.memref_slice %arg2[%add3A_211, %dma_start3A_214] : memref<320000x128xf32, #tpu.memory_space<hbm>> -> memref<200x128xf32, #tpu.memory_space<hbm>>
        tpu.enqueue_dma source(%dma_start3A_215 : memref<200x128xf32, #tpu.memory_space<hbm>>) target(%arg7 : memref<200x128xf32, #tpu.memory_space<vmem>>) target_semaphore(%arg13 : memref<!tpu.dma_semaphore, #tpu.memory_space<semaphore_mem>>)
      } else {
      }
      %mul3A_188 = arith.constant 5 : i32
      %mul3A_189 = arith.muli %scan3A_99, %mul3A_188 : i32
      %add3A_190 = arith.constant 4 : i32
      %add3A_191 = arith.addi %mul3A_189, %add3A_190 : i32
      %dma_wait3A_192 = arith.constant 0 : i32
      %dma_wait3A_193 = tpu.memref_slice %arg2[%mul3A_2, %dma_wait3A_192] : memref<320000x128xf32, #tpu.memory_space<hbm>> -> memref<200x128xf32, #tpu.memory_space<hbm>>
      %dma_wait3A_194 = arith.constant 0 : i32
      %dma_wait3A_195 = tpu.memref_slice %arg2[%mul3A_2, %dma_wait3A_194] : memref<320000x128xf32, #tpu.memory_space<hbm>> -> memref<200x128xf32, #tpu.memory_space<hbm>>
      tpu.wait_dma2 semaphore(%arg14 : memref<!tpu.dma_semaphore, #tpu.memory_space<semaphore_mem>>) src(%dma_wait3A_195 : memref<200x128xf32, #tpu.memory_space<hbm>>) dst(%arg8 : memref<200x128xf32, #tpu.memory_space<vmem>>)
      %scan3A_196 = arith.constant 0 : i32
      %scan3A_197 = arith.constant 200 : i32
      %scan3A_198 = arith.addi %scan3A_196, %scan3A_197 : i32
      %scan3A_199 = arith.constant 2 : i32
      %scan3A_200:8 = scf.for %scan3A_209 = %scan3A_196 to %scan3A_198 step %scan3A_199 iter_args(%scan3A_210 = %scan3A_179#0, %scan3A_211 = %scan3A_179#1, %scan3A_212 = %scan3A_179#2, %scan3A_213 = %scan3A_179#3, %scan3A_214 = %scan3A_179#4, %scan3A_215 = %scan3A_179#5, %scan3A_216 = %scan3A_179#6, %scan3A_217 = %scan3A_179#7) -> (vector<16xf32>, vector<16xf32>, vector<16xf32>, vector<16xf32>, vector<16xf32>, vector<16xf32>, vector<16xf32>, vector<16xf32>)  : i32 {
        %get3A = arith.index_cast %scan3A_209 : i32 to index
        %get3A_218 = arith.constant 0 : index
        %get3A_219 = tpu.vector_load %arg8[%get3A, %get3A_218] {strides = array<i32>} : memref<200x128xf32, #tpu.memory_space<vmem>>, vector<1x16xf32>,
        %get3A_220 = vector.shape_cast %get3A_219 : vector<1x16xf32> to vector<16xf32>
        %add3A_221 = arith.addf %scan3A_210, %get3A_220 : vector<16xf32>
        %get3A_222 = arith.index_cast %scan3A_209 : i32 to index
        %get3A_223 = arith.constant 16 : index
        %get3A_224 = tpu.vector_load %arg8[%get3A_222, %get3A_223] {strides = array<i32>} : memref<200x128xf32, #tpu.memory_space<vmem>>, vector<1x16xf32>,
        %get3A_225 = vector.shape_cast %get3A_224 : vector<1x16xf32> to vector<16xf32>
        %add3A_226 = arith.addf %scan3A_211, %get3A_225 : vector<16xf32>
        %get3A_227 = arith.index_cast %scan3A_209 : i32 to index
        %get3A_228 = arith.constant 32 : index
        %get3A_229 = tpu.vector_load %arg8[%get3A_227, %get3A_228] {strides = array<i32>} : memref<200x128xf32, #tpu.memory_space<vmem>>, vector<1x16xf32>,
        %get3A_230 = vector.shape_cast %get3A_229 : vector<1x16xf32> to vector<16xf32>
        %add3A_231 = arith.addf %scan3A_212, %get3A_230 : vector<16xf32>
        %get3A_232 = arith.index_cast %scan3A_209 : i32 to index
        %get3A_233 = arith.constant 48 : index
        %get3A_234 = tpu.vector_load %arg8[%get3A_232, %get3A_233] {strides = array<i32>} : memref<200x128xf32, #tpu.memory_space<vmem>>, vector<1x16xf32>,
        %get3A_235 = vector.shape_cast %get3A_234 : vector<1x16xf32> to vector<16xf32>
        %add3A_236 = arith.addf %scan3A_213, %get3A_235 : vector<16xf32>
        %get3A_237 = arith.index_cast %scan3A_209 : i32 to index
        %get3A_238 = arith.constant 64 : index
        %get3A_239 = tpu.vector_load %arg8[%get3A_237, %get3A_238] {strides = array<i32>} : memref<200x128xf32, #tpu.memory_space<vmem>>, vector<1x16xf32>,
        %get3A_240 = vector.shape_cast %get3A_239 : vector<1x16xf32> to vector<16xf32>
        %add3A_241 = arith.addf %scan3A_214, %get3A_240 : vector<16xf32>
        %get3A_242 = arith.index_cast %scan3A_209 : i32 to index
        %get3A_243 = arith.constant 80 : index
        %get3A_244 = tpu.vector_load %arg8[%get3A_242, %get3A_243] {strides = array<i32>} : memref<200x128xf32, #tpu.memory_space<vmem>>, vector<1x16xf32>,
        %get3A_245 = vector.shape_cast %get3A_244 : vector<1x16xf32> to vector<16xf32>
        %add3A_246 = arith.addf %scan3A_215, %get3A_245 : vector<16xf32>
        %get3A_247 = arith.index_cast %scan3A_209 : i32 to index
        %get3A_248 = arith.constant 96 : index
        %get3A_249 = tpu.vector_load %arg8[%get3A_247, %get3A_248] {strides = array<i32>} : memref<200x128xf32, #tpu.memory_space<vmem>>, vector<1x16xf32>,
        %get3A_250 = vector.shape_cast %get3A_249 : vector<1x16xf32> to vector<16xf32>
        %add3A_251 = arith.addf %scan3A_216, %get3A_250 : vector<16xf32>
        %get3A_252 = arith.index_cast %scan3A_209 : i32 to index
        %get3A_253 = arith.constant 112 : index
        %get3A_254 = tpu.vector_load %arg8[%get3A_252, %get3A_253] {strides = array<i32>} : memref<200x128xf32, #tpu.memory_space<vmem>>, vector<1x16xf32>,
        %get3A_255 = vector.shape_cast %get3A_254 : vector<1x16xf32> to vector<16xf32>
        %add3A_256 = arith.addf %scan3A_217, %get3A_255 : vector<16xf32>
        %scan3A_257 = arith.constant 1 : i32
        %scan3A_258 = arith.addi %scan3A_209, %scan3A_257 : i32
        %get3A_259 = arith.index_cast %scan3A_258 : i32 to index
        %get3A_260 = arith.constant 0 : index
        %get3A_261 = tpu.vector_load %arg8[%get3A_259, %get3A_260] {strides = array<i32>} : memref<200x128xf32, #tpu.memory_space<vmem>>, vector<1x16xf32>,
        %get3A_262 = vector.shape_cast %get3A_261 : vector<1x16xf32> to vector<16xf32>
        %add3A_263 = arith.addf %add3A_221, %get3A_262 : vector<16xf32>
        %get3A_264 = arith.index_cast %scan3A_258 : i32 to index
        %get3A_265 = arith.constant 16 : index
        %get3A_266 = tpu.vector_load %arg8[%get3A_264, %get3A_265] {strides = array<i32>} : memref<200x128xf32, #tpu.memory_space<vmem>>, vector<1x16xf32>,
        %get3A_267 = vector.shape_cast %get3A_266 : vector<1x16xf32> to vector<16xf32>
        %add3A_268 = arith.addf %add3A_226, %get3A_267 : vector<16xf32>
        %get3A_269 = arith.index_cast %scan3A_258 : i32 to index
        %get3A_270 = arith.constant 32 : index
        %get3A_271 = tpu.vector_load %arg8[%get3A_269, %get3A_270] {strides = array<i32>} : memref<200x128xf32, #tpu.memory_space<vmem>>, vector<1x16xf32>,
        %get3A_272 = vector.shape_cast %get3A_271 : vector<1x16xf32> to vector<16xf32>
        %add3A_273 = arith.addf %add3A_231, %get3A_272 : vector<16xf32>
        %get3A_274 = arith.index_cast %scan3A_258 : i32 to index
        %get3A_275 = arith.constant 48 : index
        %get3A_276 = tpu.vector_load %arg8[%get3A_274, %get3A_275] {strides = array<i32>} : memref<200x128xf32, #tpu.memory_space<vmem>>, vector<1x16xf32>,
        %get3A_277 = vector.shape_cast %get3A_276 : vector<1x16xf32> to vector<16xf32>
        %add3A_278 = arith.addf %add3A_236, %get3A_277 : vector<16xf32>
        %get3A_279 = arith.index_cast %scan3A_258 : i32 to index
        %get3A_280 = arith.constant 64 : index
        %get3A_281 = tpu.vector_load %arg8[%get3A_279, %get3A_280] {strides = array<i32>} : memref<200x128xf32, #tpu.memory_space<vmem>>, vector<1x16xf32>,
        %get3A_282 = vector.shape_cast %get3A_281 : vector<1x16xf32> to vector<16xf32>
        %add3A_283 = arith.addf %add3A_241, %get3A_282 : vector<16xf32>
        %get3A_284 = arith.index_cast %scan3A_258 : i32 to index
        %get3A_285 = arith.constant 80 : index
        %get3A_286 = tpu.vector_load %arg8[%get3A_284, %get3A_285] {strides = array<i32>} : memref<200x128xf32, #tpu.memory_space<vmem>>, vector<1x16xf32>,
        %get3A_287 = vector.shape_cast %get3A_286 : vector<1x16xf32> to vector<16xf32>
        %add3A_288 = arith.addf %add3A_246, %get3A_287 : vector<16xf32>
        %get3A_289 = arith.index_cast %scan3A_258 : i32 to index
        %get3A_290 = arith.constant 96 : index
        %get3A_291 = tpu.vector_load %arg8[%get3A_289, %get3A_290] {strides = array<i32>} : memref<200x128xf32, #tpu.memory_space<vmem>>, vector<1x16xf32>,
        %get3A_292 = vector.shape_cast %get3A_291 : vector<1x16xf32> to vector<16xf32>
        %add3A_293 = arith.addf %add3A_251, %get3A_292 : vector<16xf32>
        %get3A_294 = arith.index_cast %scan3A_258 : i32 to index
        %get3A_295 = arith.constant 112 : index
        %get3A_296 = tpu.vector_load %arg8[%get3A_294, %get3A_295] {strides = array<i32>} : memref<200x128xf32, #tpu.memory_space<vmem>>, vector<1x16xf32>,
        %get3A_297 = vector.shape_cast %get3A_296 : vector<1x16xf32> to vector<16xf32>
        %add3A_298 = arith.addf %add3A_256, %get3A_297 : vector<16xf32>
        scf.yield %add3A_263, %add3A_268, %add3A_273, %add3A_278, %add3A_283, %add3A_288, %add3A_293, %add3A_298 : vector<16xf32>, vector<16xf32>, vector<16xf32>, vector<16xf32>, vector<16xf32>, vector<16xf32>, vector<16xf32>, vector<16xf32>
      }
      %scan3A_201 = arith.constant 200 : i32
      %add3A_202 = arith.constant 5 : i32
      %add3A_203 = arith.addi %add3A_191, %add3A_202 : i32
      %lt3A_204 = arith.constant 10 : i32
      %lt3A_205 = arith.cmpi slt, %add3A_203, %lt3A_204 : i32
      %convert_element_type3A_206 = arith.extui %lt3A_205 : i1 to i32
      %cond3A_207 = arith.constant 0 : i32
      %cond3A_208 = arith.cmpi ne, %convert_element_type3A_206, %cond3A_207 : i32
      scf.if %cond3A_208 {
        %mul3A_209 = arith.constant 200 : i32
        %mul3A_210 = arith.muli %add3A_203, %mul3A_209 : i32
        %add3A_211 = arith.addi %mul3A_2, %mul3A_210 : i32
        %dma_start3A_212 = arith.constant 0 : i32
        %dma_start3A_213 = tpu.memref_slice %arg2[%add3A_211, %dma_start3A_212] : memref<320000x128xf32, #tpu.memory_space<hbm>> -> memref<200x128xf32, #tpu.memory_space<hbm>>
        %dma_start3A_214 = arith.constant 0 : i32
        %dma_start3A_215 = tpu.memref_slice %arg2[%add3A_211, %dma_start3A_214] : memref<320000x128xf32, #tpu.memory_space<hbm>> -> memref<200x128xf32, #tpu.memory_space<hbm>>
        tpu.enqueue_dma source(%dma_start3A_215 : memref<200x128xf32, #tpu.memory_space<hbm>>) target(%arg8 : memref<200x128xf32, #tpu.memory_space<vmem>>) target_semaphore(%arg14 : memref<!tpu.dma_semaphore, #tpu.memory_space<semaphore_mem>>)
      } else {
      }
      scf.yield %scan3A_200#0, %scan3A_200#1, %scan3A_200#2, %scan3A_200#3, %scan3A_200#4, %scan3A_200#5, %scan3A_200#6, %scan3A_200#7 : vector<16xf32>, vector<16xf32>, vector<16xf32>, vector<16xf32>, vector<16xf32>, vector<16xf32>, vector<16xf32>, vector<16xf32>
    }
    %scan3A_51 = arith.constant 2 : i32
    %swap3A = arith.constant 0 : i32
    %swap3A_52 = arith.index_cast %swap3A : i32 to index
    %swap3A_53 = arith.constant 0 : index
    %swap3A_54 = tpu.vector_load %arg9[%swap3A_52, %swap3A_53] {strides = array<i32>} : memref<1x128xf32, #tpu.memory_space<vmem>>, vector<1x16xf32>,
    %swap3A_55 = vector.shape_cast %swap3A_54 : vector<1x16xf32> to vector<16xf32>
    %swap3A_56 = vector.shape_cast %scan3A_50#0 : vector<16xf32> to vector<1x16xf32>
    tpu.vector_store %arg9[%swap3A_52, %swap3A_53], %swap3A_56 {strides = array<i32>} : memref<1x128xf32, #tpu.memory_space<vmem>>, vector<1x16xf32>,
    %swap3A_57 = arith.constant 0 : i32
    %swap3A_58 = arith.index_cast %swap3A_57 : i32 to index
    %swap3A_59 = arith.constant 16 : index
    %swap3A_60 = tpu.vector_load %arg9[%swap3A_58, %swap3A_59] {strides = array<i32>} : memref<1x128xf32, #tpu.memory_space<vmem>>, vector<1x16xf32>,
    %swap3A_61 = vector.shape_cast %swap3A_60 : vector<1x16xf32> to vector<16xf32>
    %swap3A_62 = vector.shape_cast %scan3A_50#1 : vector<16xf32> to vector<1x16xf32>
    tpu.vector_store %arg9[%swap3A_58, %swap3A_59], %swap3A_62 {strides = array<i32>} : memref<1x128xf32, #tpu.memory_space<vmem>>, vector<1x16xf32>,
    %swap3A_63 = arith.constant 0 : i32
    %swap3A_64 = arith.index_cast %swap3A_63 : i32 to index
    %swap3A_65 = arith.constant 32 : index
    %swap3A_66 = tpu.vector_load %arg9[%swap3A_64, %swap3A_65] {strides = array<i32>} : memref<1x128xf32, #tpu.memory_space<vmem>>, vector<1x16xf32>,
    %swap3A_67 = vector.shape_cast %swap3A_66 : vector<1x16xf32> to vector<16xf32>
    %swap3A_68 = vector.shape_cast %scan3A_50#2 : vector<16xf32> to vector<1x16xf32>
    tpu.vector_store %arg9[%swap3A_64, %swap3A_65], %swap3A_68 {strides = array<i32>} : memref<1x128xf32, #tpu.memory_space<vmem>>, vector<1x16xf32>,
    %swap3A_69 = arith.constant 0 : i32
    %swap3A_70 = arith.index_cast %swap3A_69 : i32 to index
    %swap3A_71 = arith.constant 48 : index
    %swap3A_72 = tpu.vector_load %arg9[%swap3A_70, %swap3A_71] {strides = array<i32>} : memref<1x128xf32, #tpu.memory_space<vmem>>, vector<1x16xf32>,
    %swap3A_73 = vector.shape_cast %swap3A_72 : vector<1x16xf32> to vector<16xf32>
    %swap3A_74 = vector.shape_cast %scan3A_50#3 : vector<16xf32> to vector<1x16xf32>
    tpu.vector_store %arg9[%swap3A_70, %swap3A_71], %swap3A_74 {strides = array<i32>} : memref<1x128xf32, #tpu.memory_space<vmem>>, vector<1x16xf32>,
    %swap3A_75 = arith.constant 0 : i32
    %swap3A_76 = arith.index_cast %swap3A_75 : i32 to index
    %swap3A_77 = arith.constant 64 : index
    %swap3A_78 = tpu.vector_load %arg9[%swap3A_76, %swap3A_77] {strides = array<i32>} : memref<1x128xf32, #tpu.memory_space<vmem>>, vector<1x16xf32>,
    %swap3A_79 = vector.shape_cast %swap3A_78 : vector<1x16xf32> to vector<16xf32>
    %swap3A_80 = vector.shape_cast %scan3A_50#4 : vector<16xf32> to vector<1x16xf32>
    tpu.vector_store %arg9[%swap3A_76, %swap3A_77], %swap3A_80 {strides = array<i32>} : memref<1x128xf32, #tpu.memory_space<vmem>>, vector<1x16xf32>,
    %swap3A_81 = arith.constant 0 : i32
    %swap3A_82 = arith.index_cast %swap3A_81 : i32 to index
    %swap3A_83 = arith.constant 80 : index
    %swap3A_84 = tpu.vector_load %arg9[%swap3A_82, %swap3A_83] {strides = array<i32>} : memref<1x128xf32, #tpu.memory_space<vmem>>, vector<1x16xf32>,
    %swap3A_85 = vector.shape_cast %swap3A_84 : vector<1x16xf32> to vector<16xf32>
    %swap3A_86 = vector.shape_cast %scan3A_50#5 : vector<16xf32> to vector<1x16xf32>
    tpu.vector_store %arg9[%swap3A_82, %swap3A_83], %swap3A_86 {strides = array<i32>} : memref<1x128xf32, #tpu.memory_space<vmem>>, vector<1x16xf32>,
    %swap3A_87 = arith.constant 0 : i32
    %swap3A_88 = arith.index_cast %swap3A_87 : i32 to index
    %swap3A_89 = arith.constant 96 : index
    %swap3A_90 = tpu.vector_load %arg9[%swap3A_88, %swap3A_89] {strides = array<i32>} : memref<1x128xf32, #tpu.memory_space<vmem>>, vector<1x16xf32>,
    %swap3A_91 = vector.shape_cast %swap3A_90 : vector<1x16xf32> to vector<16xf32>
    %swap3A_92 = vector.shape_cast %scan3A_50#6 : vector<16xf32> to vector<1x16xf32>
    tpu.vector_store %arg9[%swap3A_88, %swap3A_89], %swap3A_92 {strides = array<i32>} : memref<1x128xf32, #tpu.memory_space<vmem>>, vector<1x16xf32>,
    %swap3A_93 = arith.constant 0 : i32
    %swap3A_94 = arith.index_cast %swap3A_93 : i32 to index
    %swap3A_95 = arith.constant 112 : index
    %swap3A_96 = tpu.vector_load %arg9[%swap3A_94, %swap3A_95] {strides = array<i32>} : memref<1x128xf32, #tpu.memory_space<vmem>>, vector<1x16xf32>,
    %swap3A_97 = vector.shape_cast %swap3A_96 : vector<1x16xf32> to vector<16xf32>
    %swap3A_98 = vector.shape_cast %scan3A_50#7 : vector<16xf32> to vector<1x16xf32>
    tpu.vector_store %arg9[%swap3A_94, %swap3A_95], %swap3A_98 {strides = array<i32>} : memref<1x128xf32, #tpu.memory_space<vmem>>, vector<1x16xf32>,
    "tpu.region"() ({
      %run_scoped3A = tpu.sem_alloc : memref<!tpu.dma_semaphore, #tpu.memory_space<semaphore_mem>>
      %dma_start3A_99 = arith.constant 0 : i32
      %dma_start3A_100 = arith.constant 0 : i32
      %dma_start3A_101 = tpu.memref_slice %arg3[%add3A, %dma_start3A_99, %dma_start3A_100] : memref<32x1x128xf32, #tpu.memory_space<hbm>> -> memref<1x1x128xf32, #tpu.memory_space<hbm>>
      %dma_start3A_102 = tpu.memref_squeeze %dma_start3A_101 : memref<1x1x128xf32, #tpu.memory_space<hbm>> -> memref<1x128xf32, #tpu.memory_space<hbm>>
      %dma_start3A_103 = arith.constant 0 : i32
      %dma_start3A_104 = arith.constant 0 : i32
      %dma_start3A_105 = tpu.memref_slice %arg3[%add3A, %dma_start3A_103, %dma_start3A_104] : memref<32x1x128xf32, #tpu.memory_space<hbm>> -> memref<1x1x128xf32, #tpu.memory_space<hbm>>
      %dma_start3A_106 = tpu.memref_squeeze %dma_start3A_105 : memref<1x1x128xf32, #tpu.memory_space<hbm>> -> memref<1x128xf32, #tpu.memory_space<hbm>>
      tpu.enqueue_dma source(%arg9 : memref<1x128xf32, #tpu.memory_space<vmem>>) target(%dma_start3A_106 : memref<1x128xf32, #tpu.memory_space<hbm>>) target_semaphore(%run_scoped3A : memref<!tpu.dma_semaphore, #tpu.memory_space<semaphore_mem>>)
      %dma_wait3A = arith.constant 0 : i32
      %dma_wait3A_107 = arith.constant 0 : i32
      %dma_wait3A_108 = tpu.memref_slice %arg3[%add3A, %dma_wait3A, %dma_wait3A_107] : memref<32x1x128xf32, #tpu.memory_space<hbm>> -> memref<1x1x128xf32, #tpu.memory_space<hbm>>
      %dma_wait3A_109 = tpu.memref_squeeze %dma_wait3A_108 : memref<1x1x128xf32, #tpu.memory_space<hbm>> -> memref<1x128xf32, #tpu.memory_space<hbm>>
      %dma_wait3A_110 = arith.constant 0 : i32
      %dma_wait3A_111 = arith.constant 0 : i32
      %dma_wait3A_112 = tpu.memref_slice %arg3[%add3A, %dma_wait3A_110, %dma_wait3A_111] : memref<32x1x128xf32, #tpu.memory_space<hbm>> -> memref<1x1x128xf32, #tpu.memory_space<hbm>>
      %dma_wait3A_113 = tpu.memref_squeeze %dma_wait3A_112 : memref<1x1x128xf32, #tpu.memory_space<hbm>> -> memref<1x128xf32, #tpu.memory_space<hbm>>
      tpu.wait_dma2 semaphore(%run_scoped3A : memref<!tpu.dma_semaphore, #tpu.memory_space<semaphore_mem>>) src(%arg9 : memref<1x128xf32, #tpu.memory_space<vmem>>) dst(%dma_wait3A_113 : memref<1x128xf32, #tpu.memory_space<hbm>>)
      tpu.yield
    }) : () -> ()
    return
  }
}

module attributes {stable_mosaic.version = 14 : i64} {
  func.func @_tc_tail_body(%arg0: i32, %arg1: memref<32000x128xf32, #tpu.memory_space<vmem>>, %arg2: memref<1x128xf32, #tpu.memory_space<vmem>>, %arg3: memref<64x128xf32, #tpu.memory_space<vmem>>) attributes {dimension_semantics = [#tpu.dimension_semantics<arbitrary>], iteration_bounds = array<i64: 8>, scalar_prefetch = 0 : i64, scratch_operands = 1 : i64, tpu.core_type = #tpu.core_type<tc>, window_params = [{transform_indices = @transform_0, window_bounds = array<i64: 32000, 128>}, {pipeline_mode = #tpu.pipeline_mode<synchronous>, transform_indices = @transform_1, window_bounds = array<i64: 1, 128>}]} {
    %eq3A = arith.constant 0 : i32
    %eq3A_0 = arith.cmpi eq, %arg0, %eq3A : i32
    %convert_element_type3A = arith.extui %eq3A_0 : i1 to i32
    %cond3A = arith.constant 0 : i32
    %cond3A_1 = arith.cmpi ne, %convert_element_type3A, %cond3A : i32
    scf.if %cond3A_1 {
      %broadcast_in_dim3A = arith.constant 0.000000e+00 : f32
      %broadcast_in_dim3A_15 = vector.broadcast %broadcast_in_dim3A : f32 to vector<64x128xf32>
      %swap3A_16 = arith.constant 0 : index
      %swap3A_17 = arith.constant 0 : index
      %swap3A_18 = vector.load %arg3[%swap3A_16, %swap3A_17] : memref<64x128xf32, #tpu.memory_space<vmem>>, vector<64x128xf32>
      tpu.vector_store %arg3[%swap3A_16, %swap3A_17], %broadcast_in_dim3A_15 {strides = array<i32>} : memref<64x128xf32, #tpu.memory_space<vmem>>, vector<64x128xf32>,
    } else {
    }
    %get3A = arith.constant 0 : index
    %get3A_2 = arith.constant 0 : index
    %get3A_3 = vector.load %arg1[%get3A, %get3A_2] : memref<32000x128xf32, #tpu.memory_space<vmem>>, vector<32000x128xf32>
    %reshape3A = vector.shape_cast %get3A_3 : vector<32000x128xf32> to vector<500x64x128xf32>
    %get3A_4 = arith.constant 0 : index
    %get3A_5 = arith.constant 0 : index
    %get3A_6 = vector.load %arg3[%get3A_4, %get3A_5] : memref<64x128xf32, #tpu.memory_space<vmem>>, vector<64x128xf32>
    %reduce_sum3A = arith.constant dense<0.000000e+00> : vector<64x128xf32>
    %reduce_sum3A_7 = vector.multi_reduction <add>, %reshape3A, %reduce_sum3A [0] : vector<500x64x128xf32> to vector<64x128xf32>
    %add3A = arith.addf %get3A_6, %reduce_sum3A_7 : vector<64x128xf32>
    %swap3A = arith.constant 0 : index
    %swap3A_8 = arith.constant 0 : index
    %swap3A_9 = vector.load %arg3[%swap3A, %swap3A_8] : memref<64x128xf32, #tpu.memory_space<vmem>>, vector<64x128xf32>
    tpu.vector_store %arg3[%swap3A, %swap3A_8], %add3A {strides = array<i32>} : memref<64x128xf32, #tpu.memory_space<vmem>>, vector<64x128xf32>,
    %eq3A_10 = arith.constant 7 : i32
    %eq3A_11 = arith.cmpi eq, %arg0, %eq3A_10 : i32
    %convert_element_type3A_12 = arith.extui %eq3A_11 : i1 to i32
    %cond3A_13 = arith.constant 0 : i32
    %cond3A_14 = arith.cmpi ne, %convert_element_type3A_12, %cond3A_13 : i32
    scf.if %cond3A_14 {
      %get3A_15 = arith.constant 0 : index
      %get3A_16 = arith.constant 0 : index
      %get3A_17 = vector.load %arg3[%get3A_15, %get3A_16] : memref<64x128xf32, #tpu.memory_space<vmem>>, vector<64x128xf32>
      %reduce_sum3A_18 = arith.constant dense<0.000000e+00> : vector<128xf32>
      %reduce_sum3A_19 = vector.multi_reduction <add>, %get3A_17, %reduce_sum3A_18 [0] : vector<64x128xf32> to vector<128xf32>
      %broadcast_in_dim3A = vector.shape_cast %reduce_sum3A_19 : vector<128xf32> to vector<1x128xf32>
      %swap3A_20 = arith.constant 0 : index
      %swap3A_21 = arith.constant 0 : index
      %swap3A_22 = vector.load %arg2[%swap3A_20, %swap3A_21] : memref<1x128xf32, #tpu.memory_space<vmem>>, vector<1x128xf32>
      tpu.vector_store %arg2[%swap3A_20, %swap3A_21], %broadcast_in_dim3A {strides = array<i32>} : memref<1x128xf32, #tpu.memory_space<vmem>>, vector<1x128xf32>,
    } else {
    }
    return
  }
  func.func @transform_0(%arg0: i32) -> (i32, i32) {
    %add3A = arith.constant 2 : i32
    %add3A_0 = arith.addi %add3A, %arg0 : i32
    %c0_i32 = arith.constant 0 : i32
    %c0_i32_1 = arith.constant 0 : i32
    return %add3A_0, %c0_i32 : i32, i32
  }
  func.func @transform_1(%arg0: i32) -> (i32, i32) {
    %c0_i32 = arith.constant 0 : i32
    %c0_i32_0 = arith.constant 0 : i32
    %c0_i32_1 = arith.constant 0 : i32
    return %c0_i32, %c0_i32_0 : i32, i32
  }
}

module attributes {stable_mosaic.version = 14 : i64} {
  func.func @_combine_body(%arg0: memref<32x1x128xf32, #tpu.memory_space<vmem>>, %arg1: memref<1x128xf32, #tpu.memory_space<vmem>>, %arg2: memref<1x128xf32, #tpu.memory_space<vmem>>) attributes {dimension_semantics = [], scalar_prefetch = 0 : i64, scratch_operands = 0 : i64, tpu.core_type = #tpu.core_type<tc>} {
    %get3A = arith.constant 0 : index
    %get3A_0 = arith.constant 0 : index
    %get3A_1 = arith.constant 0 : index
    %get3A_2 = vector.load %arg0[%get3A, %get3A_0, %get3A_1] : memref<32x1x128xf32, #tpu.memory_space<vmem>>, vector<32x1x128xf32>
    %reduce_sum3A = arith.constant dense<0.000000e+00> : vector<1x128xf32>
    %reduce_sum3A_3 = vector.multi_reduction <add>, %get3A_2, %reduce_sum3A [0] : vector<32x1x128xf32> to vector<1x128xf32>
    %get3A_4 = arith.constant 0 : index
    %get3A_5 = arith.constant 0 : index
    %get3A_6 = vector.load %arg1[%get3A_4, %get3A_5] : memref<1x128xf32, #tpu.memory_space<vmem>>, vector<1x128xf32>
    %add3A = arith.addf %reduce_sum3A_3, %get3A_6 : vector<1x128xf32>
    %swap3A = arith.constant 0 : index
    %swap3A_7 = arith.constant 0 : index
    %swap3A_8 = vector.load %arg2[%swap3A, %swap3A_7] : memref<1x128xf32, #tpu.memory_space<vmem>>, vector<1x128xf32>
    tpu.vector_store %arg2[%swap3A, %swap3A_7], %add3A {strides = array<i32>} : memref<1x128xf32, #tpu.memory_space<vmem>>, vector<1x128xf32>,
    return
  }
}

</mosaic_0001>

<sc_bundles>
// kernel: kernel.5.cloned.1.call-start
scs
__scs_entry_jumppad:
0x0: {  	(pc) =	sbr.rel $0x88, $3  }
0x1: {  	(tag) =	ssettag $0x0;
	lr =	simm.s32 $0x1  }
0x2: {  	[smem:$0x3FA0] =	sst lr;
	_ =	strace $0xD0000000  }
0x3: {  	_ = 	snop  }
0x4: {  	_ = 	snop  }
0x5: {  	_ = 	snop  }
0x6: {  	_ = 	snop  }
0x7: {  	_ = 	snop  }
__scs_overlays_trampoline_lowered:
0x8: {  	[smem:$0x3FAF] =	sst s0  }
0x9: {  	[smem:$0x3FB0] =	sst s1  }
0xa: {  	[smem:$0x3FB1] =	sst s2  }
0xb: {  	[smem:$0x3FB2] =	sst s3  }
0xc: {  	[smem:$0x3FB3] =	sst s4  }
0xd: {  	[smem:$0x3FB4] =	sst s5  }
0xe: {  	[smem:$0x3FB5] =	sst s6  }
0xf: {  	[smem:$0x3FB6] =	sst s7  }
0x10: {  	[smem:$0x3FB7] =	sst s8  }
0x11: {  	[smem:$0x3FB8] =	sst s9;
	s0 =	simm.s32 @!p0 $0x0  }
0x12: {  	s1 =	sld [smem:$0x3F9E];
	s0 =	simm.s32 @p0 $0x1  }
0x13: {  	[smem:$0x3FB9] =	sst s0;
	s0 =	simm.s32 @!p1 $0x0  }
0x14: {  	s2 =	sld [smem:$0x3F9D];
	s0 =	simm.s32 @p1 $0x1  }
0x15: {  	[smem:$0x3FBA] =	sst s0;
	s0 =	simm.s32 @!p2 $0x0  }
0x16: {  	s3 =	sld [smem:$0x3FDB];
	s0 =	simm.s32 @p2 $0x1  }
0x17: {  	s4 =	simm.s32 $0x1BF5;
	[smem:$0x3FBC] =	sst s0  }
0x18: {  	s0 =	sld [smem:$0x3F9F];
	_ =	swait.ge [sflag:s4], $0x0  }
0x19: {  	s7 =	sld [smem:$0x3FA0]  }
0x1a: {  	s8 =	sadd.s32 $0xFFFFE003, lr  }
0x1b: {  	s9 =	sadd.s32 $0xFFFFFEF7, lr;
	s5 =	simm.s32 $0xFFFFFFFF;
	p2 =	slt.u32 s8, $0xFFFFF086  }
0x1c: {  	p1 =	slt.u32 s9, $0xF7A;
	s5 =	simm.s32 @!p2 $0x0  }
0x1d: {  	s5 =	simm.s32 @p1 $0x1;
	p0 =	seq.s32 s7, s2  }
0x1e: {  	s7 =	smul.u32 @!p0 $0xF7A, s2;
	p2 =	seq.s32 @!p0 s5, $0x0  }
0x1f: {  	s9 =	smul.u32 $0xF7A, s1;
	s8 =	simm.s32 @!p0 $0x1BF5;
	p2 =	por !p2, p0  }
0x20: {  	[sflag:s8] =	ssyncset.s32 @!p0 $0xFFFFF086;
	s6 =	sadd.s32 @!p0 s3, s7;
	s7 =	simm.s32 @!p0 $0x108  }
0x21: {  	s3 =	sadd.s32 s3, s9;
	s6 =	sadd.s32 @!p0 $0x88, s6;
	s7 =	simm.s32 @p2 $0x1082  }
0x22: {  	[simem:s7], [sflag:s8] =	dma.local @!p0 [hbm:s6], $0xF7A  }
0x23: {  	s9 =	sor.u32 $0xD0000000, s2;
	s6 =	simm.s32 $0x108;
	_ =	swait.ge @!p0 [sflag:s8], $0x0  }
0x24: {  	s3 =	sadd.s32 $0x88, s3;
	s6 =	simm.s32 @!p1 $0x1082;
	[sflag:s4] =	ssyncset.s32 $0xFFFFF086  }
0x25: {  	[simem:s6], [sflag:s4] =	dma.local [hbm:s3], $0xF7A  }
0x26: {  	[smem:$0x3FA0] =	sst s1;
	(tag) =	ssettag s2;
	_ =	strace s9  }
0x27: {  	s1 =	sld [smem:$0x3FB0]  }
0x28: {  	s2 =	sld [smem:$0x3FB1]  }
0x29: {  	s4 =	sld [smem:$0x3FB3]  }
0x2a: {  	p0 =	seq.s32 s5, $0x0;
	s5 =	sld [smem:$0x3FB4]  }
0x2b: {  	s6 =	sld [smem:$0x3FB5]  }
0x2c: {  	s7 =	sld [smem:$0x3FB6]  }
0x2d: {  	s3 =	simm.s32 $0x108;
	s8 =	sld [smem:$0x3FB7]  }
0x2e: {  	s3 =	simm.s32 @!p0 $0x1082;
	s9 =	sld [smem:$0x3FB8]  }
0x2f: {  	lr =	sadd.s32 s0, s3;
	s0 =	sld [smem:$0x3FAF]  }
0x30: {  	s3 =	sld [smem:$0x3FB2]  }
0x31: {  	[smem:$0x3FBB] =	sst s10  }
0x32: {  	s10 =	sld [smem:$0x3FB9];
	_ =	sdelay $0x3  }
0x33: {  	p0 =	seq.s32 s10, $0x1;
	s10 =	sld [smem:$0x3FBB];
	_ =	sdelay $0x3  }
0x34: {  	[smem:$0x3FBB] =	sst s10  }
0x35: {  	s10 =	sld [smem:$0x3FBA];
	_ =	sdelay $0x3  }
0x36: {  	p1 =	seq.s32 s10, $0x1;
	s10 =	sld [smem:$0x3FBB];
	_ =	sdelay $0x3  }
0x37: {  	[smem:$0x3FBB] =	sst s10  }
0x38: {  	s10 =	sld [smem:$0x3FBC]  }
0x39: {  	_ = 	snop;
	(pc) =	sbr.ind lr, $3  }
0x3a: {  	_ = 	snop  }
0x3b: {  	_ = 	snop  }
0x3c: {  	p2 =	seq.s32 s10, $0x1;
	s10 =	sld [smem:$0x3FBB]  }
0x3d: {  	_ =	shalt  }
0x3e: {  	_ =	shalt  }
0x3f: {  	_ =	shalt  }
0x40: {  	_ =	shalt  }
0x41: {  	_ =	shalt  }
0x42: {  	_ =	shalt  }
0x43: {  	_ =	shalt  }
0x44: {  	_ =	shalt  }
0x45: {  	_ =	shalt  }
0x46: {  	_ =	shalt  }
0x47: {  	_ =	shalt  }
0x48: {  	_ =	shalt  }
0x49: {  	_ =	shalt  }
0x4a: {  	_ =	shalt  }
0x4b: {  	_ =	shalt  }
0x4c: {  	_ =	shalt  }
0x4d: {  	_ =	shalt  }
0x4e: {  	_ =	shalt  }
0x4f: {  	_ =	shalt  }
0x50: {  	_ =	shalt  }
0x51: {  	_ =	shalt  }
0x52: {  	_ =	shalt  }
0x53: {  	_ =	shalt  }
0x54: {  	_ =	shalt  }
0x55: {  	_ =	shalt  }
0x56: {  	_ =	shalt  }
0x57: {  	_ =	shalt  }
0x58: {  	_ =	shalt  }
0x59: {  	_ =	shalt  }
0x5a: {  	_ =	shalt  }
0x5b: {  	_ =	shalt  }
0x5c: {  	_ =	shalt  }
0x5d: {  	_ =	shalt  }
0x5e: {  	_ =	shalt  }
0x5f: {  	_ =	shalt  }
0x60: {  	_ =	shalt  }
0x61: {  	_ =	shalt  }
0x62: {  	_ =	shalt  }
0x63: {  	_ =	shalt  }
0x64: {  	_ =	shalt  }
0x65: {  	_ =	shalt  }
0x66: {  	_ =	shalt  }
0x67: {  	_ =	shalt  }
0x68: {  	_ =	shalt  }
0x69: {  	_ =	shalt  }
0x6a: {  	_ =	shalt  }
0x6b: {  	_ =	shalt  }
0x6c: {  	_ =	shalt  }
0x6d: {  	_ =	shalt  }
0x6e: {  	_ =	shalt  }
0x6f: {  	_ =	shalt  }
0x70: {  	_ =	shalt  }
0x71: {  	_ =	shalt  }
0x72: {  	_ =	shalt  }
0x73: {  	_ =	shalt  }
0x74: {  	_ =	shalt  }
0x75: {  	_ =	shalt  }
0x76: {  	_ =	shalt  }
0x77: {  	_ =	shalt  }
0x78: {  	_ =	shalt  }
0x79: {  	_ =	shalt  }
0x7a: {  	_ =	shalt  }
0x7b: {  	_ =	shalt  }
0x7c: {  	_ =	shalt  }
0x7d: {  	_ =	shalt  }
0x7e: {  	_ =	shalt  }
0x7f: {  	_ =	shalt  }
0x80: {  	_ =	shalt  }
0x81: {  	_ =	shalt  }
0x82: {  	_ =	shalt  }
0x83: {  	_ =	shalt  }
0x84: {  	_ =	shalt  }
0x85: {  	_ =	shalt  }
0x86: {  	_ =	shalt  }
0x87: {  	_ =	shalt  }
.Lfunc_end0:
.L_simem_size_0:
called_computation_lowered:
.L_overlay_start_0:
0x88: {  	s2 =	sld [smem:$0x3FD9]  }
0x89: {  	s3 =	sld [smem:$0x3FFE];
	_ =	sdelay $0x1  }
0x8a: {  	s1 =	srdreg.scid  }
0x8b: {  	s0 =	sand.u32 $0x1, s1  }
0x8c: {  	s17 =	sshll.u32 s0, $0xA;
	s2 =	sadd.s32 s3, s2  }
0x8d: {  	s2 =	sadd.s32 s2, s17  }
0x8e: {  	[smem:$0x3FC7] =	sst s2  }
0x8f: {  	_ = 	snop  }
0x90: {  	s2 =	sld [smem:$0x3FC9];
	(tm) =	ssettm $0x1  }
0x91: {  	s18 =	sld [smem:$0x3FFB];
	_ =	sdelay $0x3  }
0x92: {  	_ =	strace s18  }
0x93: {  	s3 =	sld [smem:$0x3FFC];
	_ =	sdelay $0x3  }
0x94: {  	_ =	strace s3  }
0x95: {  	s3 =	sld [smem:$0x3FFD];
	_ =	sdelay $0x3  }
0x96: {  	_ =	strace s3  }
0x97: {  	_ =	strace $0x8FFFFFFF  }
0x98: {  	s19 =	sld [smem:$0x3FDB];
	_ =	sdelay $0x1  }
0x99: {  	s4 =	simm.s32 $_scs_section_size  }
0x9a: {  	s5 =	simm.s32 $_size__tile_overlayer_lowered;
	s6 =	simm.s32 $_tile_overlayer_lowered  }
0x9b: {  	s22 =	simm.s32 $0x1BFF;
	s21 =	sshll.u32 s6, $0x1;
	s3 =	sadd.s32 s4, s19  }
0x9c: {  	s7 =	simm.s32 $0x0;
	s20 =	sshll.u32 s5, $0x1;
	s5 =	sadd.s32 s21, s3  }
0x9d: {  	[timem:s7], [sflag:s22] =	dma.local [hbm:s5], s20  }
0x9e: {  	_ =	swait.ge [sflag:s22], s20  }
0x9f: {  	s4 =	ssub.s32 $0x0, s20;
	[sflag:s22] =	ssyncset.done $0x0  }
0xa0: {  	[sflag:s22] =	ssyncadd.s32 s4;
	_ =	sdelay $0x1  }
0xa1: {  	s23 =	simm.s32 $0x1B8B  }
0xa2: {  	_ =	swait.ge [sflag:s23], $0x1  }
0xa3: {  	[sflag:s23] =	ssyncset.done $0x0  }
0xa4: {  	s25 =	simm.s32 $0x1B8E;
	s24 =	sld [smem:$0x3FFE];
	[sflag:s23] =	ssyncadd.s32 $0xFFFFFFFF  }
0xa5: {  	s26 =	simm.s32 $execute0_lowered;
	[smem:$0x3FD2] =	sst s25  }
0xa6: {  	s5 =	sshll.u32 s26, $0x1;
	_ =	strace $0x80000046;
	[dreg:$0x1] =	wrdreg $0xFFFFFFFF  }
0xa7: {  	s28 =	simm.s32 $_size_execute0_lowered;
	s3 =	sadd.s32 s3, s5;
	[dreg:$0x0] =	wrdreg $0x0  }
0xa8: {  	s5 =	sshll.u32 s28, $0x1;
	[dreg:$0x2] =	wrdreg s3  }
0xa9: {  	[dreg:$0x3] =	wrdreg s5  }
0xaa: {  	[dreg:$0x4] =	wrdreg $0xC0  }
0xab: {  	_ =	task [dreg:s7], $0x5FFFF  }
0xac: {  	[dreg:$0x1] =	wrdreg $0xFFFFFFFF  }
0xad: {  	[dreg:$0x0] =	wrdreg $0x60  }
0xae: {  	[dreg:$0x2] =	wrdreg s2  }
0xaf: {  	[dreg:$0x3] =	wrdreg s24  }
0xb0: {  	[dreg:$0x4] =	wrdreg $0x9  }
0xb1: {  	_ =	task.clear_ibuf [dreg:s7], $0x5FFFF;
	_ =	strace $0x90000046  }
0xb2: {  	s29 =	simm.s32 $0x9;
	_ =	strace $0x80000048  }
0xb3: {  	_ =	swait.ge [sflag:s29], $0x1  }
0xb4: {  	[sflag:s29] =	ssyncadd.s32 $0xFFFFFFFF  }
0xb5: {  	_ =	strace $0x90000048  }
0xb6: {  	_ =	sfence  }
0xb7: {  	s30 =	sld [smem:$0x0];
	_ =	sdelay $0x2  }
0xb8: {  	s31 =	sshll.u32 s1, $0xD;
	s1 =	sshrl.u32 s1, $0x2  }
0xb9: {  	s3 =	sand.u32 $0x4000, s31;
	s1 =	sadd.s32 s1, s30  }
0xba: {  	s0 =	sor.u32 s3, s0;
	s1 =	sshll.u32 s1, $0x11  }
0xbb: {  	s0 =	sor.u32 s1, s0  }
0xbc: {  	s0 =	sadd.s32 $0x8F2B, s0  }
0xbd: {  	[sflag:s0] =	ssyncadd.remote.s32 $0x1  }
0xbe: {  	_ =	sfence.sel $0xFFFF  }
0xbf: {  	[dreg:$0x0] =	wrdreg $0xFFFFFFFF;
	(pc) =	sbr.abs _section_cstart, $3  }
0xc0: {  	[dreg:$0x1] =	wrdreg $0xFFFFFFFF  }
0xc1: {  	_ =	task.clear_ibuf [dreg:s7], $0x2FFFF;
	_ =	strace $0x9FFFFFFF  }
0xc2: {  	(tm) =	ssettm $0x7FFFFFFF  }
0xc3: {  	_ =	shalt  }
tec
execute0_lowered:
.L_overlay_start_1:
0x0: {  	(tag) =	ssettag $0x1  }
0x1: {  	s3 =	rddreg [dreg:$0x0]  }
0x2: {  	s1 =	srdreg.scid;
	s0 =	stileid.u32  }
0x3: {  	s4 =	rddreg [dreg:$0x1];
	s2 =	simm.s32 $0x0;
	s15 =	simm.s32 $0x6400  }
0x4: {  	s16 =	simm.s32 $0xC800;
	s17 =	simm.s32 $0x12C00;
	s18 =	simm.s32 $0x19000  }
0x5: {  	s19 =	simm.s32 $0x1;
	s20 =	simm.s32 $0x2;
	s21 =	simm.s32 $0x3  }
0x6: {  	s22 =	simm.s32 $0x4;
	s23 =	simm.s32 $0x5;
	s24 =	simm.s32 $0x1F400  }
0x7: {  	s25 =	simm.s32 $0x6;
	s5 =	sand.u32 $0x1, s1;
	s1 =	rddreg [dreg:$0x2]  }
0x8: {  	s26 =	simm.s32 $0x0;
	s6 =	sshll.u32 s0, $0x1;
	[smem:$0x7FF] =	sst s2  }
0x9: {  	s6 =	sor.u32 s5, s6;
	_ =	strace $0x80000047;
	s5 =	ssub.s32 $0x2, s5  }
0xa: {  	s7 =	smul.u32 $0x3E800, s6;
	s8 =	sshll.u32 s6, $0x4;
	s9 =	sshrl.u32 s5, $0x1  }
0xb: {  	s6 =	smul.u32 $0x7D00, s6;
	s12 =	sadd.s32 s8, s4;
	s13 =	ssub.s32 s5, s9  }
.Ltmp0:
0xc: {  	s7 =	sshrl.u32 s7, $0x3;
	s12 =	sadd.s32 $0x600, s12;
	(pc) =	sbr.rel .LBB2_1-.Ltmp0, $4  }
0xd: {  	s13 =	smax.u32 s13, $0x1;
	s7 =	sadd.s32 s3, s7;
	s3 =	sadd.s32 s3, s6  }
0xe: {  	s4 =	sadd.s32 $0xC80, s7;
	s5 =	sadd.s32 $0x1900, s7;
	s6 =	sadd.s32 $0x2580, s7  }
0xf: {  	s7 =	sadd.s32 $0x3200, s7;
	s8 =	sadd.s32 $0x3E80, s3;
	s9 =	sadd.s32 $0x4B00, s3  }
0x10: {  	s10 =	sadd.s32 $0x5780, s3;
	s11 =	sadd.s32 $0x7080, s3;
	s14 =	sadd.s32 $0x6400, s3  }
.LBB2_14:
0x11: {  	[tilespmem:$0x1F420] =	vst v12  }
0x12: {  	[tilespmem:$0x1F430] =	vst v9  }
0x13: {  	[tilespmem:$0x1F440] =	vst v3  }
0x14: {  	[tilespmem:$0x1F450] =	vst v2  }
0x15: {  	[tilespmem:$0x1F460] =	vst v1  }
0x16: {  	[tilespmem:$0x1F470] =	vst v0;
	s26 =	sadd.s32 $0x1, s26  }
0x17: {  	[tilespmem:$0x1F400] =	vst v5;
	p0 =	sne.s32 s26, s13  }
.Ltmp1:
0x18: {  	[tilespmem:$0x1F410] =	vst v4;
	(pc) =	sbr.rel @!p0 .LBB2_15-.Ltmp1, $4  }
0x19: {  	[hbm4b:s12+s2] =	stream.linear.scatter [tilespmem:s24], [sflag:$0x6], $0x80, $0x38;
	[tilespmem:$0x1F480] =	vst v63  }
0x1a: {  	_ =	swait.ge [sflag:s25], $0x80  }
0x1b: {  	[sflag:s25] =	ssyncset.done $0x0  }
0x1c: {  	[sflag:s25] =	ssyncadd.s32 $0xFFFFFF80  }
.LBB2_1:
0x1d: {  	[tilespmem:s2], [sflag:$0x1] =	stream.linear.gather [hbm4b:s3+s2], $0x6400, $0x38;
	[tilespmem:$0x1F480] =	vst v63  }
0x1e: {  	_ = 	snop  }
0x1f: {  	[tilespmem:s15], [sflag:$0x2] =	stream.linear.gather [hbm4b:s4+s2], $0x6400, $0x38;
	[tilespmem:$0x1F480] =	vst v63  }
0x20: {  	_ = 	snop  }
0x21: {  	v0 =	vimm.f32 $0.0e+00;
	v1 =	vimm.f32 $0.0e+00;
	[tilespmem:s16], [sflag:$0x3] =	stream.linear.gather [hbm4b:s5+s2], $0x6400, $0x38;
	[tilespmem:$0x1F480] =	vst v63  }
0x22: {  	v2 =	vimm.f32 $0.0e+00;
	v3 =	vimm.f32 $0.0e+00;
	v9 =	vimm.f32 $0.0e+00;
	p0 =	por $0x1, $0x1;
	s28 =	smov.u32 s7  }
0x23: {  	v12 =	vimm.f32 $0.0e+00;
	v4 =	vimm.f32 $0.0e+00;
	v5 =	vimm.f32 $0.0e+00;
	[tilespmem:s17], [sflag:$0x4] =	stream.linear.gather [hbm4b:s6+s2], $0x6400, $0x38;
	[tilespmem:$0x1F480] =	vst v63  }
.LBB2_2:
0x24: {  	[tilespmem:s18], [sflag:$0x5] =	stream.linear.gather [hbm4b:s28+s2], $0x6400, $0x38;
	[tilespmem:$0x1F480] =	vst v63  }
0x25: {  	_ =	swait.ge [sflag:s19], $0x6400  }
0x26: {  	[sflag:s19] =	ssyncset.done $0x0  }
0x27: {  	s29 =	simm.s32 $0x80;
	[sflag:s19] =	ssyncadd.s32 $0xFFFF9C00  }
0x28: {  	v7 =	vld [tilespmem:s29+$0x0]  }
0x29: {  	v13 =	vld [tilespmem:s29+$0x10]  }
0x2a: {  	v10 =	vld [tilespmem:s29+$0x20]  }
0x2b: {  	v11 =	vld [tilespmem:s29+$0x30]  }
0x2c: {  	v6 =	vld [tilespmem:s29+$0x40]  }
0x2d: {  	v8 =	vld [tilespmem:s29+$0x50]  }
0x2e: {  	v16 =	vld [tilespmem:s29+$0xFFFFFF80]  }
0x2f: {  	v18 =	vld [tilespmem:s29+$0xFFFFFF90]  }
0x30: {  	v19 =	vld [tilespmem:s29+$0xFFFFFFA0]  }
0x31: {  	v21 =	vld [tilespmem:s29+$0xFFFFFFB0]  }
0x32: {  	v15 =	vld [tilespmem:s29+$0xFFFFFFC0]  }
0x33: {  	v17 =	vld [tilespmem:s29+$0xFFFFFFD0]  }
0x34: {  	v14 =	vld [tilespmem:s29+$0xFFFFFFE0]  }
0x35: {  	v5 =	vadd.f32 v16, v5;
	v4 =	vadd.f32 v18, v4;
	v18 =	vld [tilespmem:s29+$0xFFFFFFF0]  }
0x36: {  	v20 =	vadd.f32 v19, v12;
	v21 =	vadd.f32 v21, v9;
	v16 =	vld [tilespmem:s29+$0x60]  }
0x37: {  	s28 =	simm.s32 $0x0;
	v19 =	vld [tilespmem:s29+$0x70];
	s29 =	simm.s32 $0x180;
	v12 =	vadd.f32 v7, v5;
	v13 =	vadd.f32 v13, v4  }
.LBB2_3:
0x38: {  	v4 =	vld [tilespmem:s29+$0x0];
	v5 =	vadd.f32 v10, v20;
	v7 =	vadd.f32 v11, v21  }
0x39: {  	v3 =	vadd.f32 v15, v3;
	v2 =	vadd.f32 v17, v2;
	v9 =	vld [tilespmem:s29+$0x10]  }
0x3a: {  	v1 =	vadd.f32 v14, v1;
	v10 =	vld [tilespmem:s29+$0x20];
	v0 =	vadd.f32 v18, v0  }
0x3b: {  	v3 =	vadd.f32 v6, v3;
	v2 =	vadd.f32 v8, v2;
	v11 =	vld [tilespmem:s29+$0x30]  }
0x3c: {  	v1 =	vadd.f32 v16, v1;
	v6 =	vld [tilespmem:s29+$0x40];
	v0 =	vadd.f32 v19, v0  }
0x3d: {  	v8 =	vld [tilespmem:s29+$0x50]  }
0x3e: {  	v16 =	vld [tilespmem:s29+$0xFFFFFF80]  }
0x3f: {  	v18 =	vld [tilespmem:s29+$0xFFFFFF90]  }
0x40: {  	v19 =	vld [tilespmem:s29+$0xFFFFFFA0]  }
0x41: {  	s28 =	sadd.s32 $0x2, s28;
	v21 =	vld [tilespmem:s29+$0xFFFFFFB0]  }
0x42: {  	p1 =	slt.u32 s28, $0xC6;
	v15 =	vld [tilespmem:s29+$0xFFFFFFC0]  }
.Ltmp2:
0x43: {  	v17 =	vld [tilespmem:s29+$0xFFFFFFD0];
	(pc) =	sbr.rel @p1 .LBB2_3-.Ltmp2, $4  }
0x44: {  	v14 =	vld [tilespmem:s29+$0xFFFFFFE0]  }
0x45: {  	v12 =	vadd.f32 v16, v12;
	v13 =	vadd.f32 v18, v13;
	v18 =	vld [tilespmem:s29+$0xFFFFFFF0]  }
0x46: {  	v20 =	vadd.f32 v19, v5;
	v21 =	vadd.f32 v21, v7;
	v16 =	vld [tilespmem:s29+$0x60]  }
0x47: {  	v12 =	vadd.f32 v4, v12;
	v13 =	vadd.f32 v9, v13;
	v19 =	vld [tilespmem:s29+$0x70];
	s29 =	sadd.s32 $0x100, s29  }
0x48: {  	s28 =	simm.s32 @p0 $0x0  }
0x49: {  	[tilespmem:s28], [sflag:$0x1] =	stream.linear.gather @p0 [hbm4b:s8+s28], $0x6400, $0x38;
	[tilespmem:$0x1F480] =	vst v63  }
0x4a: {  	_ =	swait.ge [sflag:s20], $0x6400  }
0x4b: {  	[sflag:s20] =	ssyncset.done $0x0  }
0x4c: {  	s29 =	simm.s32 $0x6480;
	[sflag:s20] =	ssyncadd.s32 $0xFFFF9C00  }
0x4d: {  	v22 =	vld [tilespmem:s29+$0x0]  }
0x4e: {  	v23 =	vld [tilespmem:s29+$0x10]  }
0x4f: {  	v7 =	vld [tilespmem:s29+$0x20]  }
0x50: {  	v9 =	vld [tilespmem:s29+$0x30]  }
0x51: {  	v4 =	vld [tilespmem:s29+$0x40]  }
0x52: {  	v5 =	vld [tilespmem:s29+$0x50]  }
0x53: {  	v24 =	vld [tilespmem:s29+$0xFFFFFF80]  }
0x54: {  	v25 =	vld [tilespmem:s29+$0xFFFFFF90]  }
0x55: {  	v20 =	vadd.f32 v10, v20;
	v21 =	vadd.f32 v11, v21;
	v26 =	vld [tilespmem:s29+$0xFFFFFFA0]  }
0x56: {  	v3 =	vadd.f32 v15, v3;
	v2 =	vadd.f32 v17, v2;
	v17 =	vld [tilespmem:s29+$0xFFFFFFB0]  }
0x57: {  	v10 =	vadd.f32 v14, v1;
	v0 =	vadd.f32 v18, v0;
	v14 =	vld [tilespmem:s29+$0xFFFFFFC0]  }
0x58: {  	v1 =	vadd.f32 v6, v3;
	v3 =	vadd.f32 v8, v2;
	v15 =	vld [tilespmem:s29+$0xFFFFFFD0]  }
0x59: {  	v10 =	vadd.f32 v16, v10;
	v11 =	vadd.f32 v19, v0;
	v16 =	vld [tilespmem:s29+$0xFFFFFFE0]  }
0x5a: {  	v18 =	vld [tilespmem:s29+$0xFFFFFFF0];
	v0 =	vadd.f32 v24, v12;
	v2 =	vadd.f32 v25, v13  }
0x5b: {  	v19 =	vld [tilespmem:s29+$0x70];
	v20 =	vadd.f32 v26, v20;
	v21 =	vadd.f32 v17, v21  }
0x5c: {  	s28 =	simm.s32 $0x0;
	v17 =	vld [tilespmem:s29+$0x60];
	s29 =	simm.s32 $0x6580;
	v12 =	vadd.f32 v22, v0;
	v13 =	vadd.f32 v23, v2  }
.LBB2_5:
0x5d: {  	v0 =	vld [tilespmem:s29+$0x0];
	v2 =	vadd.f32 v7, v20;
	v6 =	vadd.f32 v9, v21  }
0x5e: {  	v1 =	vadd.f32 v14, v1;
	v3 =	vadd.f32 v15, v3;
	v8 =	vld [tilespmem:s29+$0x10]  }
0x5f: {  	v10 =	vadd.f32 v16, v10;
	v7 =	vld [tilespmem:s29+$0x20];
	v11 =	vadd.f32 v18, v11  }
0x60: {  	v1 =	vadd.f32 v4, v1;
	v3 =	vadd.f32 v5, v3;
	v9 =	vld [tilespmem:s29+$0x30]  }
0x61: {  	v10 =	vadd.f32 v17, v10;
	v4 =	vld [tilespmem:s29+$0x40];
	v11 =	vadd.f32 v19, v11  }
0x62: {  	v5 =	vld [tilespmem:s29+$0x50]  }
0x63: {  	v17 =	vld [tilespmem:s29+$0xFFFFFF80]  }
0x64: {  	v18 =	vld [tilespmem:s29+$0xFFFFFF90]  }
0x65: {  	v19 =	vld [tilespmem:s29+$0xFFFFFFA0]  }
0x66: {  	s28 =	sadd.s32 $0x2, s28;
	v21 =	vld [tilespmem:s29+$0xFFFFFFB0]  }
0x67: {  	p1 =	slt.u32 s28, $0xC6;
	v14 =	vld [tilespmem:s29+$0xFFFFFFC0]  }
.Ltmp3:
0x68: {  	v15 =	vld [tilespmem:s29+$0xFFFFFFD0];
	(pc) =	sbr.rel @p1 .LBB2_5-.Ltmp3, $4  }
0x69: {  	v16 =	vld [tilespmem:s29+$0xFFFFFFE0]  }
0x6a: {  	v12 =	vadd.f32 v17, v12;
	v13 =	vadd.f32 v18, v13;
	v18 =	vld [tilespmem:s29+$0xFFFFFFF0]  }
0x6b: {  	v20 =	vadd.f32 v19, v2;
	v21 =	vadd.f32 v21, v6;
	v17 =	vld [tilespmem:s29+$0x60]  }
0x6c: {  	v12 =	vadd.f32 v0, v12;
	v13 =	vadd.f32 v8, v13;
	v19 =	vld [tilespmem:s29+$0x70];
	s29 =	sadd.s32 $0x100, s29  }
0x6d: {  	s28 =	simm.s32 @p0 $0x0;
	s29 =	simm.s32 @p0 $0x6400  }
0x6e: {  	[tilespmem:s29], [sflag:$0x2] =	stream.linear.gather @p0 [hbm4b:s9+s28], $0x6400, $0x38;
	[tilespmem:$0x1F480] =	vst v63  }
0x6f: {  	_ =	swait.ge [sflag:s21], $0x6400  }
0x70: {  	[sflag:s21] =	ssyncset.done $0x0  }
0x71: {  	s29 =	simm.s32 $0xC880;
	[sflag:s21] =	ssyncadd.s32 $0xFFFF9C00  }
0x72: {  	v22 =	vld [tilespmem:s29+$0x0]  }
0x73: {  	v23 =	vld [tilespmem:s29+$0x10]  }
0x74: {  	v6 =	vld [tilespmem:s29+$0x20]  }
0x75: {  	v8 =	vld [tilespmem:s29+$0x30]  }
0x76: {  	v0 =	vld [tilespmem:s29+$0x40]  }
0x77: {  	v2 =	vld [tilespmem:s29+$0x50]  }
0x78: {  	v24 =	vld [tilespmem:s29+$0xFFFFFF80]  }
0x79: {  	v25 =	vld [tilespmem:s29+$0xFFFFFF90]  }
0x7a: {  	v20 =	vadd.f32 v7, v20;
	v21 =	vadd.f32 v9, v21;
	v26 =	vld [tilespmem:s29+$0xFFFFFFA0]  }
0x7b: {  	v1 =	vadd.f32 v14, v1;
	v3 =	vadd.f32 v15, v3;
	v27 =	vld [tilespmem:s29+$0xFFFFFFB0]  }
0x7c: {  	v10 =	vadd.f32 v16, v10;
	v11 =	vadd.f32 v18, v11;
	v14 =	vld [tilespmem:s29+$0xFFFFFFC0]  }
0x7d: {  	v7 =	vadd.f32 v4, v1;
	v9 =	vadd.f32 v5, v3;
	v15 =	vld [tilespmem:s29+$0xFFFFFFD0]  }
0x7e: {  	v10 =	vadd.f32 v17, v10;
	v11 =	vadd.f32 v19, v11;
	v16 =	vld [tilespmem:s29+$0xFFFFFFE0]  }
0x7f: {  	v18 =	vld [tilespmem:s29+$0xFFFFFFF0];
	v1 =	vadd.f32 v24, v12;
	v3 =	vadd.f32 v25, v13  }
0x80: {  	v17 =	vld [tilespmem:s29+$0x60];
	v20 =	vadd.f32 v26, v20;
	v21 =	vadd.f32 v27, v21  }
0x81: {  	s28 =	simm.s32 $0x0;
	v19 =	vld [tilespmem:s29+$0x70];
	s29 =	simm.s32 $0xC980;
	v12 =	vadd.f32 v22, v1;
	v13 =	vadd.f32 v23, v3  }
.LBB2_7:
0x82: {  	v1 =	vld [tilespmem:s29+$0x0];
	v3 =	vadd.f32 v6, v20;
	v4 =	vadd.f32 v8, v21  }
0x83: {  	v7 =	vadd.f32 v14, v7;
	v9 =	vadd.f32 v15, v9;
	v5 =	vld [tilespmem:s29+$0x10]  }
0x84: {  	v10 =	vadd.f32 v16, v10;
	v6 =	vld [tilespmem:s29+$0x20];
	v11 =	vadd.f32 v18, v11  }
0x85: {  	v7 =	vadd.f32 v0, v7;
	v9 =	vadd.f32 v2, v9;
	v8 =	vld [tilespmem:s29+$0x30]  }
0x86: {  	v10 =	vadd.f32 v17, v10;
	v0 =	vld [tilespmem:s29+$0x40];
	v11 =	vadd.f32 v19, v11  }
0x87: {  	v2 =	vld [tilespmem:s29+$0x50]  }
0x88: {  	v17 =	vld [tilespmem:s29+$0xFFFFFF80]  }
0x89: {  	v18 =	vld [tilespmem:s29+$0xFFFFFF90]  }
0x8a: {  	v19 =	vld [tilespmem:s29+$0xFFFFFFA0]  }
0x8b: {  	s28 =	sadd.s32 $0x2, s28;
	v21 =	vld [tilespmem:s29+$0xFFFFFFB0]  }
0x8c: {  	p1 =	slt.u32 s28, $0xC6;
	v14 =	vld [tilespmem:s29+$0xFFFFFFC0]  }
.Ltmp4:
0x8d: {  	v15 =	vld [tilespmem:s29+$0xFFFFFFD0];
	(pc) =	sbr.rel @p1 .LBB2_7-.Ltmp4, $4  }
0x8e: {  	v16 =	vld [tilespmem:s29+$0xFFFFFFE0]  }
0x8f: {  	v12 =	vadd.f32 v17, v12;
	v13 =	vadd.f32 v18, v13;
	v18 =	vld [tilespmem:s29+$0xFFFFFFF0]  }
0x90: {  	v20 =	vadd.f32 v19, v3;
	v21 =	vadd.f32 v21, v4;
	v17 =	vld [tilespmem:s29+$0x60]  }
0x91: {  	v12 =	vadd.f32 v1, v12;
	v13 =	vadd.f32 v5, v13;
	v19 =	vld [tilespmem:s29+$0x70];
	s29 =	sadd.s32 $0x100, s29  }
0x92: {  	s28 =	simm.s32 @p0 $0x0;
	s29 =	simm.s32 @p0 $0xC800  }
0x93: {  	[tilespmem:s29], [sflag:$0x3] =	stream.linear.gather @p0 [hbm4b:s10+s28], $0x6400, $0x38;
	[tilespmem:$0x1F480] =	vst v63  }
0x94: {  	_ =	swait.ge [sflag:s22], $0x6400  }
0x95: {  	[sflag:s22] =	ssyncset.done $0x0  }
0x96: {  	s29 =	simm.s32 $0x12C80;
	[sflag:s22] =	ssyncadd.s32 $0xFFFF9C00  }
0x97: {  	v22 =	vld [tilespmem:s29+$0x0]  }
0x98: {  	v23 =	vld [tilespmem:s29+$0x10]  }
0x99: {  	v4 =	vld [tilespmem:s29+$0x20]  }
0x9a: {  	v5 =	vld [tilespmem:s29+$0x30]  }
0x9b: {  	v1 =	vld [tilespmem:s29+$0x40]  }
0x9c: {  	v3 =	vld [tilespmem:s29+$0x50]  }
0x9d: {  	v24 =	vld [tilespmem:s29+$0xFFFFFF80]  }
0x9e: {  	v25 =	vld [tilespmem:s29+$0xFFFFFF90]  }
0x9f: {  	v20 =	vadd.f32 v6, v20;
	v21 =	vadd.f32 v8, v21;
	v26 =	vld [tilespmem:s29+$0xFFFFFFA0]  }
0xa0: {  	v6 =	vadd.f32 v14, v7;
	v7 =	vadd.f32 v15, v9;
	v27 =	vld [tilespmem:s29+$0xFFFFFFB0]  }
0xa1: {  	v8 =	vadd.f32 v16, v10;
	v9 =	vadd.f32 v18, v11;
	v14 =	vld [tilespmem:s29+$0xFFFFFFC0]  }
0xa2: {  	v6 =	vadd.f32 v0, v6;
	v7 =	vadd.f32 v2, v7;
	v15 =	vld [tilespmem:s29+$0xFFFFFFD0]  }
0xa3: {  	v8 =	vadd.f32 v17, v8;
	v9 =	vadd.f32 v19, v9;
	v16 =	vld [tilespmem:s29+$0xFFFFFFE0]  }
0xa4: {  	v18 =	vld [tilespmem:s29+$0xFFFFFFF0];
	v0 =	vadd.f32 v24, v12;
	v2 =	vadd.f32 v25, v13  }
0xa5: {  	v17 =	vld [tilespmem:s29+$0x60];
	v20 =	vadd.f32 v26, v20;
	v21 =	vadd.f32 v27, v21  }
0xa6: {  	s28 =	simm.s32 $0x0;
	v19 =	vld [tilespmem:s29+$0x70];
	s29 =	simm.s32 $0x12D80;
	v11 =	vadd.f32 v22, v0;
	v12 =	vadd.f32 v23, v2  }
.LBB2_9:
0xa7: {  	v0 =	vld [tilespmem:s29+$0x0];
	v2 =	vadd.f32 v4, v20;
	v10 =	vadd.f32 v5, v21  }
0xa8: {  	v6 =	vadd.f32 v14, v6;
	v7 =	vadd.f32 v15, v7;
	v13 =	vld [tilespmem:s29+$0x10]  }
0xa9: {  	v8 =	vadd.f32 v16, v8;
	v4 =	vld [tilespmem:s29+$0x20];
	v9 =	vadd.f32 v18, v9  }
0xaa: {  	v6 =	vadd.f32 v1, v6;
	v7 =	vadd.f32 v3, v7;
	v5 =	vld [tilespmem:s29+$0x30]  }
0xab: {  	v8 =	vadd.f32 v17, v8;
	v1 =	vld [tilespmem:s29+$0x40];
	v9 =	vadd.f32 v19, v9  }
0xac: {  	v3 =	vld [tilespmem:s29+$0x50]  }
0xad: {  	v17 =	vld [tilespmem:s29+$0xFFFFFF80]  }
0xae: {  	v18 =	vld [tilespmem:s29+$0xFFFFFF90]  }
0xaf: {  	v19 =	vld [tilespmem:s29+$0xFFFFFFA0]  }
0xb0: {  	s28 =	sadd.s32 $0x2, s28;
	v21 =	vld [tilespmem:s29+$0xFFFFFFB0]  }
0xb1: {  	p1 =	slt.u32 s28, $0xC6;
	v14 =	vld [tilespmem:s29+$0xFFFFFFC0]  }
.Ltmp5:
0xb2: {  	v15 =	vld [tilespmem:s29+$0xFFFFFFD0];
	(pc) =	sbr.rel @p1 .LBB2_9-.Ltmp5, $4  }
0xb3: {  	v16 =	vld [tilespmem:s29+$0xFFFFFFE0]  }
0xb4: {  	v11 =	vadd.f32 v17, v11;
	v12 =	vadd.f32 v18, v12;
	v18 =	vld [tilespmem:s29+$0xFFFFFFF0]  }
0xb5: {  	v20 =	vadd.f32 v19, v2;
	v21 =	vadd.f32 v21, v10;
	v17 =	vld [tilespmem:s29+$0x60]  }
0xb6: {  	v11 =	vadd.f32 v0, v11;
	v12 =	vadd.f32 v13, v12;
	v19 =	vld [tilespmem:s29+$0x70];
	s29 =	sadd.s32 $0x100, s29  }
0xb7: {  	s28 =	simm.s32 @p0 $0x0;
	s29 =	simm.s32 @p0 $0x12C00  }
0xb8: {  	[tilespmem:s29], [sflag:$0x4] =	stream.linear.gather @p0 [hbm4b:s14+s28], $0x6400, $0x38;
	[tilespmem:$0x1F480] =	vst v63  }
0xb9: {  	_ =	swait.ge [sflag:s23], $0x6400  }
0xba: {  	[sflag:s23] =	ssyncset.done $0x0  }
0xbb: {  	s29 =	simm.s32 $0x19080;
	[sflag:s23] =	ssyncadd.s32 $0xFFFF9C00  }
0xbc: {  	v22 =	vld [tilespmem:s29+$0x0]  }
0xbd: {  	v23 =	vld [tilespmem:s29+$0x10]  }
0xbe: {  	v10 =	vld [tilespmem:s29+$0x20]  }
0xbf: {  	v13 =	vld [tilespmem:s29+$0x30]  }
0xc0: {  	v0 =	vld [tilespmem:s29+$0x40]  }
0xc1: {  	v2 =	vld [tilespmem:s29+$0x50]  }
0xc2: {  	v24 =	vld [tilespmem:s29+$0xFFFFFF80]  }
0xc3: {  	v25 =	vld [tilespmem:s29+$0xFFFFFF90]  }
0xc4: {  	v4 =	vadd.f32 v4, v20;
	v5 =	vadd.f32 v5, v21;
	v20 =	vld [tilespmem:s29+$0xFFFFFFA0]  }
0xc5: {  	v6 =	vadd.f32 v14, v6;
	v7 =	vadd.f32 v15, v7;
	v63 =	vld [tilespmem:s29+$0xFFFFFFB0]  }
0xc6: {  	v15 =	vadd.f32 v16, v8;
	v9 =	vadd.f32 v18, v9;
	v8 =	vld [tilespmem:s29+$0xFFFFFFC0]  }
0xc7: {  	v1 =	vadd.f32 v1, v6;
	v3 =	vadd.f32 v3, v7;
	v14 =	vld [tilespmem:s29+$0xFFFFFFD0]  }
0xc8: {  	v6 =	vadd.f32 v17, v15;
	v7 =	vadd.f32 v19, v9;
	v15 =	vld [tilespmem:s29+$0xFFFFFFE0]  }
0xc9: {  	v16 =	vld [tilespmem:s29+$0xFFFFFFF0];
	v17 =	vadd.f32 v24, v11;
	v12 =	vadd.f32 v25, v12  }
0xca: {  	v9 =	vadd.f32 v20, v4;
	v18 =	vadd.f32 v63, v5;
	v11 =	vld [tilespmem:s29+$0x60]  }
0xcb: {  	s28 =	simm.s32 $0x0;
	v5 =	vadd.f32 v22, v17;
	v4 =	vadd.f32 v23, v12;
	v17 =	vld [tilespmem:s29+$0x70];
	s29 =	simm.s32 $0x19180  }
.LBB2_11:
0xcc: {  	v12 =	vld [tilespmem:s29+$0x0];
	v9 =	vadd.f32 v10, v9;
	v18 =	vadd.f32 v13, v18  }
0xcd: {  	v1 =	vadd.f32 v8, v1;
	v3 =	vadd.f32 v14, v3;
	v19 =	vld [tilespmem:s29+$0x10]  }
0xce: {  	v6 =	vadd.f32 v15, v6;
	v10 =	vld [tilespmem:s29+$0x20];
	v7 =	vadd.f32 v16, v7  }
0xcf: {  	v1 =	vadd.f32 v0, v1;
	v3 =	vadd.f32 v2, v3;
	v13 =	vld [tilespmem:s29+$0x30]  }
0xd0: {  	v6 =	vadd.f32 v11, v6;
	v0 =	vld [tilespmem:s29+$0x40];
	v7 =	vadd.f32 v17, v7  }
0xd1: {  	v2 =	vld [tilespmem:s29+$0x50]  }
0xd2: {  	v11 =	vld [tilespmem:s29+$0xFFFFFF80]  }
0xd3: {  	v16 =	vld [tilespmem:s29+$0xFFFFFF90]  }
0xd4: {  	v17 =	vld [tilespmem:s29+$0xFFFFFFA0]  }
0xd5: {  	s28 =	sadd.s32 $0x2, s28;
	v20 =	vld [tilespmem:s29+$0xFFFFFFB0]  }
0xd6: {  	p1 =	slt.u32 s28, $0xC6;
	v8 =	vld [tilespmem:s29+$0xFFFFFFC0]  }
.Ltmp6:
0xd7: {  	v14 =	vld [tilespmem:s29+$0xFFFFFFD0];
	(pc) =	sbr.rel @p1 .LBB2_11-.Ltmp6, $4  }
0xd8: {  	v15 =	vld [tilespmem:s29+$0xFFFFFFE0]  }
0xd9: {  	v5 =	vadd.f32 v11, v5;
	v4 =	vadd.f32 v16, v4;
	v16 =	vld [tilespmem:s29+$0xFFFFFFF0]  }
0xda: {  	v9 =	vadd.f32 v17, v9;
	v18 =	vadd.f32 v20, v18;
	v11 =	vld [tilespmem:s29+$0x60]  }
0xdb: {  	v5 =	vadd.f32 v12, v5;
	v4 =	vadd.f32 v19, v4;
	v17 =	vld [tilespmem:s29+$0x70];
	s29 =	sadd.s32 $0x100, s29  }
.Ltmp7:
0xdc: {  	v12 =	vadd.f32 v10, v9;
	v9 =	vadd.f32 v13, v18;
	(pc) =	sbr.rel @!p0 .LBB2_14-.Ltmp7, $4  }
0xdd: {  	v1 =	vadd.f32 v8, v1;
	v8 =	vadd.f32 v14, v3  }
0xde: {  	v6 =	vadd.f32 v15, v6;
	v7 =	vadd.f32 v16, v7  }
0xdf: {  	v3 =	vadd.f32 v0, v1;
	v2 =	vadd.f32 v2, v8  }
0xe0: {  	v1 =	vadd.f32 v11, v6;
	v0 =	vadd.f32 v17, v7  }
.Ltmp8:
0xe1: {  	(pc) =	sbr.rel .LBB2_2-.Ltmp8, $2  }
0xe2: {  	_ =	sdelay $0x2  }
0xe3: {  	p0 =	por $0x0, $0x0;
	s28 =	smov.u32 s11  }
.LBB2_15:
0xe4: {  	_ =	sfence.sel $0x180000  }
0xe5: {  	[bflag:$0x0] =	sbarrier.arrive $0xFFFF  }
0xe6: {  	p0 =	sne.s32 s0, $0x0;
	_ =	strace $0x90000047  }
0xe7: {  	s0 =	sadd.s32 @!p0 $0x100000, s1;
	[bflag:$0x2] =	sbarrier.arrive $0xFFFF  }
0xe8: {  	[sflag:s0] =	ssyncadd.tile.s32 @!p0 $0x1;
	_ =	shalt  }
.Lfunc_end2:
_tile_overlayer_lowered:
.L_overlay_start_2:
0xe9: {  	(tag) =	ssettag $0x2  }
0xea: {  	s0 =	rddreg [dreg:$0x0];
	s2 =	stileid.u32  }
0xeb: {  	s1 =	rddreg [dreg:$0x1];
	p0 =	sne.s32 s2, $0x0  }
0xec: {  	s3 =	rddreg [dreg:$0x2];
	[bflag:$0x3] =	sbarrier.arrive $0xFFFF;
	s2 =	simm.s32 @!p0 $0x1C06  }
0xed: {  	[timem:s3], [sflag:s2] =	dma.local @!p0 [hbm:s0], s1  }
0xee: {  	s0 =	simm.s32 @!p0 $0x6  }
0xef: {  	_ =	swait.ge @!p0 [sflag:s0], s1  }
0xf0: {  	s1 =	ssub.s32 @!p0 $0x0, s1;
	[sflag:s0] =	ssyncset.done @!p0 $0x0  }
0xf1: {  	[sflag:s0] =	ssyncadd.s32 @!p0 s1  }
0xf2: {  	[bflag:$0x3] =	sbarrier.arrive $0xFFFF  }
0xf3: {  	_ =	shalt  }

</sc_bundles>
